<compile_context>
chip_gen: v7x
topology: tpu7x:2x2x1
jax: 0.10.2.dev20260603
libtpu: 0.0.44.dev20260713+nightly
codegen_flags: <defaults>
</compile_context>

<pallas_src>
import jax
import jax.numpy as jnp
from jax import lax
from jax.experimental import pallas as pl
from jax.experimental.pallas import tpu as pltpu
from jax.experimental.pallas import tpu_sc as plsc

_VOCAB = 100000
_B = 16384
_NT = 14
_D = 5
_NC = 2
_NS = 16
_NW = _NC * _NS
_BPW = _B // _NW
_GCH = 128
_NG = _BPW // _GCH
_WSH = 3
_WW = 1 << _WSH
_PLANE = _NT * _VOCAB
_PROWS = _PLANE // _WW


_NCH = _NT * _NG


def _sc_gather_body(x_hbm, tables_hbm, out_hbm, x_v,
                    r0_v, p0_v, d0_v, r1_v, p1_v, d1_v, rows_v, sem0, sem1):
    wid = lax.axis_index("s") * _NC + lax.axis_index("c")
    base = wid * _BPW
    pltpu.sync_copy(x_hbm.at[pl.ds(base * 16, _BPW * 16)], x_v)

    def build_fire(t, r_v, p_v, d_v, sem):
        c = lax.shift_right_logical(t, 2)
        g = jnp.bitwise_and(t, _NG - 1)
        col = c + 2
        word_off = c * _VOCAB

        def per_vec(o, carry):
            pos = (lax.iota(jnp.int32, 16) + (g * _GCH + o * 16)) * 16 + col
            vals = plsc.load_gather(x_v, [pos])
            w = vals.astype(jnp.int32) + word_off
            r0 = lax.shift_right_logical(w, _WSH)
            for j in range(_D):
                r_v[j, pl.ds(o * 16, 16)] = r0 + j * _PROWS
            p_v[pl.ds(o * 16, 16)] = jnp.bitwise_and(w, _WW - 1)
            return carry
        lax.fori_loop(0, _GCH // 16, per_vec, 0)
        for j in range(_D):
            pltpu.async_copy(tables_hbm.at[r_v.at[j]], d_v.at[j], sem)

    def drain_extract(t, r_v, p_v, d_v, sem):
        for j in range(_D):
            pltpu.make_async_copy(
                tables_hbm.at[r_v.at[j]], d_v.at[j], sem).wait()

        def per_vec(o, carry):
            s_v = lax.iota(jnp.int32, 16) + o * 16
            pv = p_v[pl.ds(o * 16, 16)]
            for j in range(_D):
                jv = jnp.zeros((16,), jnp.int32) + j
                vals = plsc.load_gather(d_v, [jv, s_v, pv])
                rows_v[j, pl.ds(o * 16, 16)] = vals
            return carry
        lax.fori_loop(0, _GCH // 16, per_vec, 0)

        c = lax.shift_right_logical(t, 2)
        g = jnp.bitwise_and(t, _NG - 1)
        obase = base + g * _GCH
        pltpu.sync_copy(rows_v,
                        out_hbm.at[pl.ds(c * _D, _D), pl.ds(obase, _GCH)])

    build_fire(jnp.int32(0), r0_v, p0_v, d0_v, sem0)

    def body(t2, carry):
        te = t2 * 2
        build_fire(te + 1, r1_v, p1_v, d1_v, sem1)
        drain_extract(te, r0_v, p0_v, d0_v, sem0)

        @pl.when(t2 != _NCH // 2 - 1)
        def _():
            build_fire(te + 2, r0_v, p0_v, d0_v, sem0)
        drain_extract(te + 1, r1_v, p1_v, d1_v, sem1)
        return carry

    lax.fori_loop(0, _NCH // 2, body, 0)


def _sc_gather(x2d, tables_win):
    mesh = plsc.VectorSubcoreMesh(core_axis_name="c", subcore_axis_name="s")
    fn = pl.kernel(
        _sc_gather_body,
        out_type=jax.ShapeDtypeStruct((_NT * _D, _B), jnp.float32),
        mesh=mesh,
        compiler_params=pltpu.CompilerParams(
            needs_layout_passes=False, use_tc_tiling_on_sc=False),
        scratch_types=[
            pltpu.VMEM((_BPW * 16,), jnp.float32),
            pltpu.VMEM((_D, _GCH), jnp.int32),
            pltpu.VMEM((_GCH,), jnp.int32),
            pltpu.VMEM((_D, _GCH, _WW), jnp.float32),
            pltpu.VMEM((_D, _GCH), jnp.int32),
            pltpu.VMEM((_GCH,), jnp.int32),
            pltpu.VMEM((_D, _GCH, _WW), jnp.float32),
            pltpu.VMEM((_D, _GCH), jnp.float32),
            pltpu.SemaphoreType.DMA,
            pltpu.SemaphoreType.DMA,
        ],
    )
    return fn(x2d, tables_win)


def _mlp_body(x_ref, emb_ref, w1_ref, b1_ref, w2_ref, b2_ref, w3_ref, b3_ref,
              out_ref):
    xb = x_ref[0]
    h = jnp.dot(xb[:, 0:2], w1_ref[0:2, :], preferred_element_type=jnp.float32)
    h = h + jax.lax.dot_general(
        emb_ref[...], w1_ref[2:72, :], (((0,), (0,)), ((), ())),
        preferred_element_type=jnp.float32)
    h = jnp.maximum(h + b1_ref[...], 0.0)
    h = jnp.maximum(
        jnp.dot(h, w2_ref[...], preferred_element_type=jnp.float32)
        + b2_ref[...], 0.0)
    z = (jnp.dot(h, w3_ref[...], preferred_element_type=jnp.float32)
         + b3_ref[...])
    out_ref[...] = jax.nn.sigmoid(z)


def _mlp(x, emb, W1, b1, W2, b2, W3, b3):
    bt = 2048
    grid = (_B // bt,)
    return pl.pallas_call(
        _mlp_body,
        grid=grid,
        in_specs=[
            pl.BlockSpec((1, bt, 16), lambda i: (0, i, 0)),
            pl.BlockSpec((_NT * _D, bt), lambda i: (0, i)),
            pl.BlockSpec((72, 20), lambda i: (0, 0)),
            pl.BlockSpec((20,), lambda i: (0,)),
            pl.BlockSpec((20, 10), lambda i: (0, 0)),
            pl.BlockSpec((10,), lambda i: (0,)),
            pl.BlockSpec((10, 1), lambda i: (0, 0)),
            pl.BlockSpec((1,), lambda i: (0,)),
        ],
        out_specs=pl.BlockSpec((bt, 1), lambda i: (i, 0)),
        out_shape=jax.ShapeDtypeStruct((_B, 1), jnp.float32),
    )(x, emb, W1, b1, W2, b2, W3, b3)


def kernel(x, tables, W1, b1, W2, b2, W3, b3):
    x2d = x.reshape(_B * 16)
    tables_win = tables.transpose(2, 0, 1).reshape(_D * _PROWS, _WW)
    emb = _sc_gather(x2d, tables_win)
    out = _mlp(x, emb, W1, b1, W2, b2, W3, b3)
    return out.reshape(_B)

# --- scband reference (transcript-rebuilt; emitter-appended) ---
"""Pipeline reference for scband-neural-network-employment-48309792145607 (READ-ONLY COPY).

The authoritative reference and input builder live on the scoring server;
editing this copy changes nothing except your own understanding.
"""

import jax, jax.numpy as jnp
import numpy as np

VOCAB = 100000
B = 16384


def setup_inputs(seed: int = 0) -> dict:
    key = jax.random.key(seed)
    ks = jax.random.split(key, 6)
    x = jax.random.randint(ks[0], (1, B, 16), 0, VOCAB).astype(jnp.float32)
    # 14 embedding tables, all [VOCAB, 5], stacked into one array
    tables = jax.random.normal(ks[1], (14, VOCAB, 5), dtype=jnp.float32) * 0.05
    # linear_relu_stack params: Linear(72->20), Linear(20->10), Linear(10->1)
    W1 = jax.random.normal(ks[2], (72, 20), dtype=jnp.float32) * 0.1
    b1 = jnp.zeros((20,), jnp.float32)
    W2 = jax.random.normal(ks[3], (20, 10), dtype=jnp.float32) * 0.1
    b2 = jnp.zeros((10,), jnp.float32)
    W3 = jax.random.normal(ks[4], (10, 1), dtype=jnp.float32) * 0.1
    b3 = jnp.zeros((1,), jnp.float32)
    return {"x": x, "tables": tables, "W1": W1, "b1": b1, "W2": W2, "b2": b2, "W3": W3, "b3": b3}


def reference(x, tables, W1, b1, W2, b2, W3, b3):
    # embedded_vector = x[:, :, :2]; then concat embedding of each categorical col
    feats = [x[:, :, :2]]
    for col in range(2, 16):
        idx = x[:, :, col].astype(jnp.int32)
        emb = jnp.take(tables[col - 2], idx, axis=0)  # [1, B, 5]
        feats.append(emb)
    ev = jnp.concatenate(feats, axis=2)  # [1, B, 72]
    h = jax.nn.relu(ev @ W1 + b1)
    h = jax.nn.relu(h @ W2 + b2)
    out = jax.nn.sigmoid(h @ W3 + b3)  # [1, B, 1]
    out = jnp.squeeze(out, -1)  # [1, B]
    return out[0]  # [B]

if __name__ == "__main__":
    import jax
    _d = setup_inputs()
    print(jax.jit(kernel)(*tuple(_d.values())))

</pallas_src>

<mosaic_0001>
#map = affine_map<(d0, d1) -> (0)>
#map1 = affine_map<(d0, d1) -> (0, 0)>
module attributes {stable_mosaic.version = 14 : i64} {
  func.func @_sc_gather_body(%arg0: i32, %arg1: i32, %arg2: memref<262144xf32, #tpu.memory_space<hbm>>, %arg3: memref<875000x8xf32, #tpu.memory_space<hbm>>, %arg4: memref<70x16384xf32, #tpu.memory_space<hbm>>, %arg5: memref<8192xf32, #tpu.memory_space<vmem>>, %arg6: memref<5x128xi32, #tpu.memory_space<vmem>>, %arg7: memref<128xi32, #tpu.memory_space<vmem>>, %arg8: memref<5x128x8xf32, #tpu.memory_space<vmem>>, %arg9: memref<5x128xi32, #tpu.memory_space<vmem>>, %arg10: memref<128xi32, #tpu.memory_space<vmem>>, %arg11: memref<5x128x8xf32, #tpu.memory_space<vmem>>, %arg12: memref<5x128xf32, #tpu.memory_space<vmem>>, %arg13: memref<!tpu.dma_semaphore, #tpu.memory_space<semaphore_mem>>, %arg14: memref<!tpu.dma_semaphore, #tpu.memory_space<semaphore_mem>>) attributes {dimension_semantics = [#tpu.dimension_semantics<core_parallel>, #tpu.dimension_semantics<subcore_parallel>], iteration_bounds = array<i64: 2, 16>, scalar_prefetch = 0 : i64, scratch_operands = 10 : i64, tpu.core_type = #tpu.core_type<sc_vector_subcore>, window_params = [{transform_indices = #map}, {transform_indices = #map1}, {transform_indices = #map1}]} {
    %mul3A = arith.constant 2 : i32
    %mul3A_0 = arith.muli %arg1, %mul3A : i32
    %add3A = arith.addi %mul3A_0, %arg0 : i32
    %mul3A_1 = arith.constant 512 : i32
    %mul3A_2 = arith.muli %add3A, %mul3A_1 : i32
    %mul3A_3 = arith.constant 16 : i32
    %mul3A_4 = arith.muli %mul3A_2, %mul3A_3 : i32
    "tpu.region"() ({
      %run_scoped3A = tpu.sem_alloc : memref<!tpu.dma_semaphore, #tpu.memory_space<semaphore_mem>>
      %dma_start3A_83 = tpu.memref_slice %arg2[%mul3A_4] : memref<262144xf32, #tpu.memory_space<hbm>> -> memref<8192xf32, #tpu.memory_space<hbm>>
      %dma_start3A_84 = tpu.memref_slice %arg2[%mul3A_4] : memref<262144xf32, #tpu.memory_space<hbm>> -> memref<8192xf32, #tpu.memory_space<hbm>>
      tpu.enqueue_dma source(%dma_start3A_84 : memref<8192xf32, #tpu.memory_space<hbm>>) target(%arg5 : memref<8192xf32, #tpu.memory_space<vmem>>) target_semaphore(%run_scoped3A : memref<!tpu.dma_semaphore, #tpu.memory_space<semaphore_mem>>)
      %dma_wait3A = tpu.memref_slice %arg2[%mul3A_4] : memref<262144xf32, #tpu.memory_space<hbm>> -> memref<8192xf32, #tpu.memory_space<hbm>>
      %dma_wait3A_85 = tpu.memref_slice %arg2[%mul3A_4] : memref<262144xf32, #tpu.memory_space<hbm>> -> memref<8192xf32, #tpu.memory_space<hbm>>
      tpu.wait_dma2 semaphore(%run_scoped3A : memref<!tpu.dma_semaphore, #tpu.memory_space<semaphore_mem>>) src(%dma_wait3A_85 : memref<8192xf32, #tpu.memory_space<hbm>>) dst(%arg5 : memref<8192xf32, #tpu.memory_space<vmem>>)
      tpu.yield
    }) : () -> ()
    %shift_right_logical3A = arith.constant 0 : i32
    %shift_right_logical3A_5 = arith.constant 2 : i32
    %shift_right_logical3A_6 = arith.shrui %shift_right_logical3A, %shift_right_logical3A_5 : i32
    %and3A = arith.constant 0 : i32
    %and3A_7 = arith.constant 3 : i32
    %and3A_8 = arith.andi %and3A, %and3A_7 : i32
    %add3A_9 = arith.constant 2 : i32
    %add3A_10 = arith.addi %shift_right_logical3A_6, %add3A_9 : i32
    %mul3A_11 = arith.constant 100000 : i32
    %mul3A_12 = arith.muli %shift_right_logical3A_6, %mul3A_11 : i32
    %scan3A = arith.constant 0 : i32
    %scan3A_13 = arith.constant 0 : i32
    %scan3A_14 = arith.constant 8 : i32
    %scan3A_15 = arith.addi %scan3A_13, %scan3A_14 : i32
    %scan3A_16 = arith.constant 1 : i32
    scf.for %scan3A_83 = %scan3A_13 to %scan3A_15 step %scan3A_16  : i32 {
      %iota3A = tpu.iota {dimensions = array<i32: 0>} : vector<16xi32>
      %mul3A_84 = arith.constant 128 : i32
      %mul3A_85 = arith.muli %and3A_8, %mul3A_84 : i32
      %mul3A_86 = arith.constant 16 : i32
      %mul3A_87 = arith.muli %scan3A_83, %mul3A_86 : i32
      %add3A_88 = arith.addi %mul3A_85, %mul3A_87 : i32
      %add3A_89 = vector.broadcast %add3A_88 : i32 to vector<16xi32>
      %add3A_90 = arith.addi %iota3A, %add3A_89 : vector<16xi32>
      %mul3A_91 = arith.constant 16 : i32
      %mul3A_92 = vector.broadcast %mul3A_91 : i32 to vector<16xi32>
      %mul3A_93 = arith.muli %add3A_90, %mul3A_92 : vector<16xi32>
      %add3A_94 = vector.broadcast %add3A_10 : i32 to vector<16xi32>
      %add3A_95 = arith.addi %mul3A_93, %add3A_94 : vector<16xi32>
      %gather3A = tpu.vector_load_idx %arg5[%add3A_95] : memref<8192xf32, #tpu.memory_space<vmem>>[vector<16xi32>], vector<16xf32>,
      %convert_element_type3A = arith.fptosi %gather3A : vector<16xf32> to vector<16xi32>
      %add3A_96 = vector.broadcast %mul3A_12 : i32 to vector<16xi32>
      %add3A_97 = arith.addi %convert_element_type3A, %add3A_96 : vector<16xi32>
      %shift_right_logical3A_98 = arith.constant 3 : i32
      %shift_right_logical3A_99 = vector.broadcast %shift_right_logical3A_98 : i32 to vector<16xi32>
      %shift_right_logical3A_100 = arith.shrui %add3A_97, %shift_right_logical3A_99 : vector<16xi32>
      %add3A_101 = arith.constant 0 : i32
      %add3A_102 = vector.broadcast %add3A_101 : i32 to vector<16xi32>
      %add3A_103 = arith.addi %shift_right_logical3A_100, %add3A_102 : vector<16xi32>
      %mul3A_104 = arith.constant 16 : i32
      %mul3A_105 = arith.muli %scan3A_83, %mul3A_104 : i32
      %swap3A = arith.constant 0 : i32
      %swap3A_106 = arith.index_cast %swap3A : i32 to index
      %swap3A_107 = arith.index_cast %mul3A_105 : i32 to index
      %swap3A_108 = tpu.vector_load %arg6[%swap3A_106, %swap3A_107] {strides = array<i32>} : memref<5x128xi32, #tpu.memory_space<vmem>>, vector<16xi32>,
      tpu.vector_store %arg6[%swap3A_106, %swap3A_107], %add3A_103 {strides = array<i32>} : memref<5x128xi32, #tpu.memory_space<vmem>>, vector<16xi32>,
      %add3A_109 = arith.constant 175000 : i32
      %add3A_110 = vector.broadcast %add3A_109 : i32 to vector<16xi32>
      %add3A_111 = arith.addi %shift_right_logical3A_100, %add3A_110 : vector<16xi32>
      %mul3A_112 = arith.constant 16 : i32
      %mul3A_113 = arith.muli %scan3A_83, %mul3A_112 : i32
      %swap3A_114 = arith.constant 1 : i32
      %swap3A_115 = arith.index_cast %swap3A_114 : i32 to index
      %swap3A_116 = arith.index_cast %mul3A_113 : i32 to index
      %swap3A_117 = tpu.vector_load %arg6[%swap3A_115, %swap3A_116] {strides = array<i32>} : memref<5x128xi32, #tpu.memory_space<vmem>>, vector<16xi32>,
      tpu.vector_store %arg6[%swap3A_115, %swap3A_116], %add3A_111 {strides = array<i32>} : memref<5x128xi32, #tpu.memory_space<vmem>>, vector<16xi32>,
      %add3A_118 = arith.constant 350000 : i32
      %add3A_119 = vector.broadcast %add3A_118 : i32 to vector<16xi32>
      %add3A_120 = arith.addi %shift_right_logical3A_100, %add3A_119 : vector<16xi32>
      %mul3A_121 = arith.constant 16 : i32
      %mul3A_122 = arith.muli %scan3A_83, %mul3A_121 : i32
      %swap3A_123 = arith.constant 2 : i32
      %swap3A_124 = arith.index_cast %swap3A_123 : i32 to index
      %swap3A_125 = arith.index_cast %mul3A_122 : i32 to index
      %swap3A_126 = tpu.vector_load %arg6[%swap3A_124, %swap3A_125] {strides = array<i32>} : memref<5x128xi32, #tpu.memory_space<vmem>>, vector<16xi32>,
      tpu.vector_store %arg6[%swap3A_124, %swap3A_125], %add3A_120 {strides = array<i32>} : memref<5x128xi32, #tpu.memory_space<vmem>>, vector<16xi32>,
      %add3A_127 = arith.constant 525000 : i32
      %add3A_128 = vector.broadcast %add3A_127 : i32 to vector<16xi32>
      %add3A_129 = arith.addi %shift_right_logical3A_100, %add3A_128 : vector<16xi32>
      %mul3A_130 = arith.constant 16 : i32
      %mul3A_131 = arith.muli %scan3A_83, %mul3A_130 : i32
      %swap3A_132 = arith.constant 3 : i32
      %swap3A_133 = arith.index_cast %swap3A_132 : i32 to index
      %swap3A_134 = arith.index_cast %mul3A_131 : i32 to index
      %swap3A_135 = tpu.vector_load %arg6[%swap3A_133, %swap3A_134] {strides = array<i32>} : memref<5x128xi32, #tpu.memory_space<vmem>>, vector<16xi32>,
      tpu.vector_store %arg6[%swap3A_133, %swap3A_134], %add3A_129 {strides = array<i32>} : memref<5x128xi32, #tpu.memory_space<vmem>>, vector<16xi32>,
      %add3A_136 = arith.constant 700000 : i32
      %add3A_137 = vector.broadcast %add3A_136 : i32 to vector<16xi32>
      %add3A_138 = arith.addi %shift_right_logical3A_100, %add3A_137 : vector<16xi32>
      %mul3A_139 = arith.constant 16 : i32
      %mul3A_140 = arith.muli %scan3A_83, %mul3A_139 : i32
      %swap3A_141 = arith.constant 4 : i32
      %swap3A_142 = arith.index_cast %swap3A_141 : i32 to index
      %swap3A_143 = arith.index_cast %mul3A_140 : i32 to index
      %swap3A_144 = tpu.vector_load %arg6[%swap3A_142, %swap3A_143] {strides = array<i32>} : memref<5x128xi32, #tpu.memory_space<vmem>>, vector<16xi32>,
      tpu.vector_store %arg6[%swap3A_142, %swap3A_143], %add3A_138 {strides = array<i32>} : memref<5x128xi32, #tpu.memory_space<vmem>>, vector<16xi32>,
      %and3A_145 = arith.constant 7 : i32
      %and3A_146 = vector.broadcast %and3A_145 : i32 to vector<16xi32>
      %and3A_147 = arith.andi %add3A_97, %and3A_146 : vector<16xi32>
      %mul3A_148 = arith.constant 16 : i32
      %mul3A_149 = arith.muli %scan3A_83, %mul3A_148 : i32
      %swap3A_150 = arith.index_cast %mul3A_149 : i32 to index
      %swap3A_151 = tpu.vector_load %arg7[%swap3A_150] {strides = array<i32>} : memref<128xi32, #tpu.memory_space<vmem>>, vector<16xi32>,
      tpu.vector_store %arg7[%swap3A_150], %and3A_147 {strides = array<i32>} : memref<128xi32, #tpu.memory_space<vmem>>, vector<16xi32>,
    }
    %scan3A_17 = arith.constant 8 : i32
    %dma_start3A = arith.constant 0 : i32
    %dma_start3A_18 = arith.constant 0 : i32
    %dma_start3A_19 = arith.constant 0 : i32
    %dma_start3A_20 = arith.constant 0 : i32
    %dma_start3A_21 = tpu.memref_slice %arg8[%dma_start3A_18, %dma_start3A_19, %dma_start3A_20] : memref<5x128x8xf32, #tpu.memory_space<vmem>> -> memref<1x128x8xf32, #tpu.memory_space<vmem>>
    %dma_start3A_22 = tpu.memref_squeeze %dma_start3A_21 : memref<1x128x8xf32, #tpu.memory_space<vmem>> -> memref<128x8xf32, #tpu.memory_space<vmem>>
    %dma_start3A_23 = arith.constant 0 : i32
    %dma_start3A_24 = tpu.memref_slice %arg6[%dma_start3A, %dma_start3A_23] : memref<5x128xi32, #tpu.memory_space<vmem>> -> memref<1x128xi32, #tpu.memory_space<vmem>>
    %dma_start3A_25 = tpu.memref_squeeze %dma_start3A_24 : memref<1x128xi32, #tpu.memory_space<vmem>> -> memref<128xi32, #tpu.memory_space<vmem>>
    %dma_start3A_26 = arith.constant 0 : i32
    %dma_start3A_27 = arith.constant 0 : i32
    %dma_start3A_28 = tpu.memref_slice %arg3[%dma_start3A_26, %dma_start3A_27] : memref<875000x8xf32, #tpu.memory_space<hbm>> -> memref<875000x8xf32, #tpu.memory_space<hbm>>
    tpu.enqueue_indirect_dma source(%dma_start3A_28 : memref<875000x8xf32, #tpu.memory_space<hbm>>) target(%dma_start3A_22 : memref<128x8xf32, #tpu.memory_space<vmem>>) offsets(%dma_start3A_25 : memref<128xi32, #tpu.memory_space<vmem>>) semaphore(%arg13 : memref<!tpu.dma_semaphore, #tpu.memory_space<semaphore_mem>>)
    %dma_start3A_29 = arith.constant 1 : i32
    %dma_start3A_30 = arith.constant 1 : i32
    %dma_start3A_31 = arith.constant 0 : i32
    %dma_start3A_32 = arith.constant 0 : i32
    %dma_start3A_33 = tpu.memref_slice %arg8[%dma_start3A_30, %dma_start3A_31, %dma_start3A_32] : memref<5x128x8xf32, #tpu.memory_space<vmem>> -> memref<1x128x8xf32, #tpu.memory_space<vmem>>
    %dma_start3A_34 = tpu.memref_squeeze %dma_start3A_33 : memref<1x128x8xf32, #tpu.memory_space<vmem>> -> memref<128x8xf32, #tpu.memory_space<vmem>>
    %dma_start3A_35 = arith.constant 0 : i32
    %dma_start3A_36 = tpu.memref_slice %arg6[%dma_start3A_29, %dma_start3A_35] : memref<5x128xi32, #tpu.memory_space<vmem>> -> memref<1x128xi32, #tpu.memory_space<vmem>>
    %dma_start3A_37 = tpu.memref_squeeze %dma_start3A_36 : memref<1x128xi32, #tpu.memory_space<vmem>> -> memref<128xi32, #tpu.memory_space<vmem>>
    %dma_start3A_38 = arith.constant 0 : i32
    %dma_start3A_39 = arith.constant 0 : i32
    %dma_start3A_40 = tpu.memref_slice %arg3[%dma_start3A_38, %dma_start3A_39] : memref<875000x8xf32, #tpu.memory_space<hbm>> -> memref<875000x8xf32, #tpu.memory_space<hbm>>
    tpu.enqueue_indirect_dma source(%dma_start3A_40 : memref<875000x8xf32, #tpu.memory_space<hbm>>) target(%dma_start3A_34 : memref<128x8xf32, #tpu.memory_space<vmem>>) offsets(%dma_start3A_37 : memref<128xi32, #tpu.memory_space<vmem>>) semaphore(%arg13 : memref<!tpu.dma_semaphore, #tpu.memory_space<semaphore_mem>>)
    %dma_start3A_41 = arith.constant 2 : i32
    %dma_start3A_42 = arith.constant 2 : i32
    %dma_start3A_43 = arith.constant 0 : i32
    %dma_start3A_44 = arith.constant 0 : i32
    %dma_start3A_45 = tpu.memref_slice %arg8[%dma_start3A_42, %dma_start3A_43, %dma_start3A_44] : memref<5x128x8xf32, #tpu.memory_space<vmem>> -> memref<1x128x8xf32, #tpu.memory_space<vmem>>
    %dma_start3A_46 = tpu.memref_squeeze %dma_start3A_45 : memref<1x128x8xf32, #tpu.memory_space<vmem>> -> memref<128x8xf32, #tpu.memory_space<vmem>>
    %dma_start3A_47 = arith.constant 0 : i32
    %dma_start3A_48 = tpu.memref_slice %arg6[%dma_start3A_41, %dma_start3A_47] : memref<5x128xi32, #tpu.memory_space<vmem>> -> memref<1x128xi32, #tpu.memory_space<vmem>>
    %dma_start3A_49 = tpu.memref_squeeze %dma_start3A_48 : memref<1x128xi32, #tpu.memory_space<vmem>> -> memref<128xi32, #tpu.memory_space<vmem>>
    %dma_start3A_50 = arith.constant 0 : i32
    %dma_start3A_51 = arith.constant 0 : i32
    %dma_start3A_52 = tpu.memref_slice %arg3[%dma_start3A_50, %dma_start3A_51] : memref<875000x8xf32, #tpu.memory_space<hbm>> -> memref<875000x8xf32, #tpu.memory_space<hbm>>
    tpu.enqueue_indirect_dma source(%dma_start3A_52 : memref<875000x8xf32, #tpu.memory_space<hbm>>) target(%dma_start3A_46 : memref<128x8xf32, #tpu.memory_space<vmem>>) offsets(%dma_start3A_49 : memref<128xi32, #tpu.memory_space<vmem>>) semaphore(%arg13 : memref<!tpu.dma_semaphore, #tpu.memory_space<semaphore_mem>>)
    %dma_start3A_53 = arith.constant 3 : i32
    %dma_start3A_54 = arith.constant 3 : i32
    %dma_start3A_55 = arith.constant 0 : i32
    %dma_start3A_56 = arith.constant 0 : i32
    %dma_start3A_57 = tpu.memref_slice %arg8[%dma_start3A_54, %dma_start3A_55, %dma_start3A_56] : memref<5x128x8xf32, #tpu.memory_space<vmem>> -> memref<1x128x8xf32, #tpu.memory_space<vmem>>
    %dma_start3A_58 = tpu.memref_squeeze %dma_start3A_57 : memref<1x128x8xf32, #tpu.memory_space<vmem>> -> memref<128x8xf32, #tpu.memory_space<vmem>>
    %dma_start3A_59 = arith.constant 0 : i32
    %dma_start3A_60 = tpu.memref_slice %arg6[%dma_start3A_53, %dma_start3A_59] : memref<5x128xi32, #tpu.memory_space<vmem>> -> memref<1x128xi32, #tpu.memory_space<vmem>>
    %dma_start3A_61 = tpu.memref_squeeze %dma_start3A_60 : memref<1x128xi32, #tpu.memory_space<vmem>> -> memref<128xi32, #tpu.memory_space<vmem>>
    %dma_start3A_62 = arith.constant 0 : i32
    %dma_start3A_63 = arith.constant 0 : i32
    %dma_start3A_64 = tpu.memref_slice %arg3[%dma_start3A_62, %dma_start3A_63] : memref<875000x8xf32, #tpu.memory_space<hbm>> -> memref<875000x8xf32, #tpu.memory_space<hbm>>
    tpu.enqueue_indirect_dma source(%dma_start3A_64 : memref<875000x8xf32, #tpu.memory_space<hbm>>) target(%dma_start3A_58 : memref<128x8xf32, #tpu.memory_space<vmem>>) offsets(%dma_start3A_61 : memref<128xi32, #tpu.memory_space<vmem>>) semaphore(%arg13 : memref<!tpu.dma_semaphore, #tpu.memory_space<semaphore_mem>>)
    %dma_start3A_65 = arith.constant 4 : i32
    %dma_start3A_66 = arith.constant 4 : i32
    %dma_start3A_67 = arith.constant 0 : i32
    %dma_start3A_68 = arith.constant 0 : i32
    %dma_start3A_69 = tpu.memref_slice %arg8[%dma_start3A_66, %dma_start3A_67, %dma_start3A_68] : memref<5x128x8xf32, #tpu.memory_space<vmem>> -> memref<1x128x8xf32, #tpu.memory_space<vmem>>
    %dma_start3A_70 = tpu.memref_squeeze %dma_start3A_69 : memref<1x128x8xf32, #tpu.memory_space<vmem>> -> memref<128x8xf32, #tpu.memory_space<vmem>>
    %dma_start3A_71 = arith.constant 0 : i32
    %dma_start3A_72 = tpu.memref_slice %arg6[%dma_start3A_65, %dma_start3A_71] : memref<5x128xi32, #tpu.memory_space<vmem>> -> memref<1x128xi32, #tpu.memory_space<vmem>>
    %dma_start3A_73 = tpu.memref_squeeze %dma_start3A_72 : memref<1x128xi32, #tpu.memory_space<vmem>> -> memref<128xi32, #tpu.memory_space<vmem>>
    %dma_start3A_74 = arith.constant 0 : i32
    %dma_start3A_75 = arith.constant 0 : i32
    %dma_start3A_76 = tpu.memref_slice %arg3[%dma_start3A_74, %dma_start3A_75] : memref<875000x8xf32, #tpu.memory_space<hbm>> -> memref<875000x8xf32, #tpu.memory_space<hbm>>
    tpu.enqueue_indirect_dma source(%dma_start3A_76 : memref<875000x8xf32, #tpu.memory_space<hbm>>) target(%dma_start3A_70 : memref<128x8xf32, #tpu.memory_space<vmem>>) offsets(%dma_start3A_73 : memref<128xi32, #tpu.memory_space<vmem>>) semaphore(%arg13 : memref<!tpu.dma_semaphore, #tpu.memory_space<semaphore_mem>>)
    %scan3A_77 = arith.constant 0 : i32
    %scan3A_78 = arith.constant 0 : i32
    %scan3A_79 = arith.constant 28 : i32
    %scan3A_80 = arith.addi %scan3A_78, %scan3A_79 : i32
    %scan3A_81 = arith.constant 1 : i32
    scf.for %scan3A_83 = %scan3A_78 to %scan3A_80 step %scan3A_81  : i32 {
      %mul3A_84 = arith.constant 2 : i32
      %mul3A_85 = arith.muli %scan3A_83, %mul3A_84 : i32
      %add3A_86 = arith.constant 1 : i32
      %add3A_87 = arith.addi %mul3A_85, %add3A_86 : i32
      %shift_right_logical3A_88 = arith.constant 2 : i32
      %shift_right_logical3A_89 = arith.shrui %add3A_87, %shift_right_logical3A_88 : i32
      %and3A_90 = arith.constant 3 : i32
      %and3A_91 = arith.andi %add3A_87, %and3A_90 : i32
      %add3A_92 = arith.constant 2 : i32
      %add3A_93 = arith.addi %shift_right_logical3A_89, %add3A_92 : i32
      %mul3A_94 = arith.constant 100000 : i32
      %mul3A_95 = arith.muli %shift_right_logical3A_89, %mul3A_94 : i32
      %scan3A_96 = arith.constant 0 : i32
      %scan3A_97 = arith.constant 0 : i32
      %scan3A_98 = arith.constant 8 : i32
      %scan3A_99 = arith.addi %scan3A_97, %scan3A_98 : i32
      %scan3A_100 = arith.constant 1 : i32
      scf.for %scan3A_315 = %scan3A_97 to %scan3A_99 step %scan3A_100  : i32 {
        %iota3A = tpu.iota {dimensions = array<i32: 0>} : vector<16xi32>
        %mul3A_316 = arith.constant 128 : i32
        %mul3A_317 = arith.muli %and3A_91, %mul3A_316 : i32
        %mul3A_318 = arith.constant 16 : i32
        %mul3A_319 = arith.muli %scan3A_315, %mul3A_318 : i32
        %add3A_320 = arith.addi %mul3A_317, %mul3A_319 : i32
        %add3A_321 = vector.broadcast %add3A_320 : i32 to vector<16xi32>
        %add3A_322 = arith.addi %iota3A, %add3A_321 : vector<16xi32>
        %mul3A_323 = arith.constant 16 : i32
        %mul3A_324 = vector.broadcast %mul3A_323 : i32 to vector<16xi32>
        %mul3A_325 = arith.muli %add3A_322, %mul3A_324 : vector<16xi32>
        %add3A_326 = vector.broadcast %add3A_93 : i32 to vector<16xi32>
        %add3A_327 = arith.addi %mul3A_325, %add3A_326 : vector<16xi32>
        %gather3A = tpu.vector_load_idx %arg5[%add3A_327] : memref<8192xf32, #tpu.memory_space<vmem>>[vector<16xi32>], vector<16xf32>,
        %convert_element_type3A_328 = arith.fptosi %gather3A : vector<16xf32> to vector<16xi32>
        %add3A_329 = vector.broadcast %mul3A_95 : i32 to vector<16xi32>
        %add3A_330 = arith.addi %convert_element_type3A_328, %add3A_329 : vector<16xi32>
        %shift_right_logical3A_331 = arith.constant 3 : i32
        %shift_right_logical3A_332 = vector.broadcast %shift_right_logical3A_331 : i32 to vector<16xi32>
        %shift_right_logical3A_333 = arith.shrui %add3A_330, %shift_right_logical3A_332 : vector<16xi32>
        %add3A_334 = arith.constant 0 : i32
        %add3A_335 = vector.broadcast %add3A_334 : i32 to vector<16xi32>
        %add3A_336 = arith.addi %shift_right_logical3A_333, %add3A_335 : vector<16xi32>
        %mul3A_337 = arith.constant 16 : i32
        %mul3A_338 = arith.muli %scan3A_315, %mul3A_337 : i32
        %swap3A = arith.constant 0 : i32
        %swap3A_339 = arith.index_cast %swap3A : i32 to index
        %swap3A_340 = arith.index_cast %mul3A_338 : i32 to index
        %swap3A_341 = tpu.vector_load %arg9[%swap3A_339, %swap3A_340] {strides = array<i32>} : memref<5x128xi32, #tpu.memory_space<vmem>>, vector<16xi32>,
        tpu.vector_store %arg9[%swap3A_339, %swap3A_340], %add3A_336 {strides = array<i32>} : memref<5x128xi32, #tpu.memory_space<vmem>>, vector<16xi32>,
        %add3A_342 = arith.constant 175000 : i32
        %add3A_343 = vector.broadcast %add3A_342 : i32 to vector<16xi32>
        %add3A_344 = arith.addi %shift_right_logical3A_333, %add3A_343 : vector<16xi32>
        %mul3A_345 = arith.constant 16 : i32
        %mul3A_346 = arith.muli %scan3A_315, %mul3A_345 : i32
        %swap3A_347 = arith.constant 1 : i32
        %swap3A_348 = arith.index_cast %swap3A_347 : i32 to index
        %swap3A_349 = arith.index_cast %mul3A_346 : i32 to index
        %swap3A_350 = tpu.vector_load %arg9[%swap3A_348, %swap3A_349] {strides = array<i32>} : memref<5x128xi32, #tpu.memory_space<vmem>>, vector<16xi32>,
        tpu.vector_store %arg9[%swap3A_348, %swap3A_349], %add3A_344 {strides = array<i32>} : memref<5x128xi32, #tpu.memory_space<vmem>>, vector<16xi32>,
        %add3A_351 = arith.constant 350000 : i32
        %add3A_352 = vector.broadcast %add3A_351 : i32 to vector<16xi32>
        %add3A_353 = arith.addi %shift_right_logical3A_333, %add3A_352 : vector<16xi32>
        %mul3A_354 = arith.constant 16 : i32
        %mul3A_355 = arith.muli %scan3A_315, %mul3A_354 : i32
        %swap3A_356 = arith.constant 2 : i32
        %swap3A_357 = arith.index_cast %swap3A_356 : i32 to index
        %swap3A_358 = arith.index_cast %mul3A_355 : i32 to index
        %swap3A_359 = tpu.vector_load %arg9[%swap3A_357, %swap3A_358] {strides = array<i32>} : memref<5x128xi32, #tpu.memory_space<vmem>>, vector<16xi32>,
        tpu.vector_store %arg9[%swap3A_357, %swap3A_358], %add3A_353 {strides = array<i32>} : memref<5x128xi32, #tpu.memory_space<vmem>>, vector<16xi32>,
        %add3A_360 = arith.constant 525000 : i32
        %add3A_361 = vector.broadcast %add3A_360 : i32 to vector<16xi32>
        %add3A_362 = arith.addi %shift_right_logical3A_333, %add3A_361 : vector<16xi32>
        %mul3A_363 = arith.constant 16 : i32
        %mul3A_364 = arith.muli %scan3A_315, %mul3A_363 : i32
        %swap3A_365 = arith.constant 3 : i32
        %swap3A_366 = arith.index_cast %swap3A_365 : i32 to index
        %swap3A_367 = arith.index_cast %mul3A_364 : i32 to index
        %swap3A_368 = tpu.vector_load %arg9[%swap3A_366, %swap3A_367] {strides = array<i32>} : memref<5x128xi32, #tpu.memory_space<vmem>>, vector<16xi32>,
        tpu.vector_store %arg9[%swap3A_366, %swap3A_367], %add3A_362 {strides = array<i32>} : memref<5x128xi32, #tpu.memory_space<vmem>>, vector<16xi32>,
        %add3A_369 = arith.constant 700000 : i32
        %add3A_370 = vector.broadcast %add3A_369 : i32 to vector<16xi32>
        %add3A_371 = arith.addi %shift_right_logical3A_333, %add3A_370 : vector<16xi32>
        %mul3A_372 = arith.constant 16 : i32
        %mul3A_373 = arith.muli %scan3A_315, %mul3A_372 : i32
        %swap3A_374 = arith.constant 4 : i32
        %swap3A_375 = arith.index_cast %swap3A_374 : i32 to index
        %swap3A_376 = arith.index_cast %mul3A_373 : i32 to index
        %swap3A_377 = tpu.vector_load %arg9[%swap3A_375, %swap3A_376] {strides = array<i32>} : memref<5x128xi32, #tpu.memory_space<vmem>>, vector<16xi32>,
        tpu.vector_store %arg9[%swap3A_375, %swap3A_376], %add3A_371 {strides = array<i32>} : memref<5x128xi32, #tpu.memory_space<vmem>>, vector<16xi32>,
        %and3A_378 = arith.constant 7 : i32
        %and3A_379 = vector.broadcast %and3A_378 : i32 to vector<16xi32>
        %and3A_380 = arith.andi %add3A_330, %and3A_379 : vector<16xi32>
        %mul3A_381 = arith.constant 16 : i32
        %mul3A_382 = arith.muli %scan3A_315, %mul3A_381 : i32
        %swap3A_383 = arith.index_cast %mul3A_382 : i32 to index
        %swap3A_384 = tpu.vector_load %arg10[%swap3A_383] {strides = array<i32>} : memref<128xi32, #tpu.memory_space<vmem>>, vector<16xi32>,
        tpu.vector_store %arg10[%swap3A_383], %and3A_380 {strides = array<i32>} : memref<128xi32, #tpu.memory_space<vmem>>, vector<16xi32>,
      }
      %scan3A_101 = arith.constant 8 : i32
      %dma_start3A_102 = arith.constant 0 : i32
      %dma_start3A_103 = arith.constant 0 : i32
      %dma_start3A_104 = arith.constant 0 : i32
      %dma_start3A_105 = arith.constant 0 : i32
      %dma_start3A_106 = tpu.memref_slice %arg11[%dma_start3A_103, %dma_start3A_104, %dma_start3A_105] : memref<5x128x8xf32, #tpu.memory_space<vmem>> -> memref<1x128x8xf32, #tpu.memory_space<vmem>>
      %dma_start3A_107 = tpu.memref_squeeze %dma_start3A_106 : memref<1x128x8xf32, #tpu.memory_space<vmem>> -> memref<128x8xf32, #tpu.memory_space<vmem>>
      %dma_start3A_108 = arith.constant 0 : i32
      %dma_start3A_109 = tpu.memref_slice %arg9[%dma_start3A_102, %dma_start3A_108] : memref<5x128xi32, #tpu.memory_space<vmem>> -> memref<1x128xi32, #tpu.memory_space<vmem>>
      %dma_start3A_110 = tpu.memref_squeeze %dma_start3A_109 : memref<1x128xi32, #tpu.memory_space<vmem>> -> memref<128xi32, #tpu.memory_space<vmem>>
      %dma_start3A_111 = arith.constant 0 : i32
      %dma_start3A_112 = arith.constant 0 : i32
      %dma_start3A_113 = tpu.memref_slice %arg3[%dma_start3A_111, %dma_start3A_112] : memref<875000x8xf32, #tpu.memory_space<hbm>> -> memref<875000x8xf32, #tpu.memory_space<hbm>>
      tpu.enqueue_indirect_dma source(%dma_start3A_113 : memref<875000x8xf32, #tpu.memory_space<hbm>>) target(%dma_start3A_107 : memref<128x8xf32, #tpu.memory_space<vmem>>) offsets(%dma_start3A_110 : memref<128xi32, #tpu.memory_space<vmem>>) semaphore(%arg14 : memref<!tpu.dma_semaphore, #tpu.memory_space<semaphore_mem>>)
      %dma_start3A_114 = arith.constant 1 : i32
      %dma_start3A_115 = arith.constant 1 : i32
      %dma_start3A_116 = arith.constant 0 : i32
      %dma_start3A_117 = arith.constant 0 : i32
      %dma_start3A_118 = tpu.memref_slice %arg11[%dma_start3A_115, %dma_start3A_116, %dma_start3A_117] : memref<5x128x8xf32, #tpu.memory_space<vmem>> -> memref<1x128x8xf32, #tpu.memory_space<vmem>>
      %dma_start3A_119 = tpu.memref_squeeze %dma_start3A_118 : memref<1x128x8xf32, #tpu.memory_space<vmem>> -> memref<128x8xf32, #tpu.memory_space<vmem>>
      %dma_start3A_120 = arith.constant 0 : i32
      %dma_start3A_121 = tpu.memref_slice %arg9[%dma_start3A_114, %dma_start3A_120] : memref<5x128xi32, #tpu.memory_space<vmem>> -> memref<1x128xi32, #tpu.memory_space<vmem>>
      %dma_start3A_122 = tpu.memref_squeeze %dma_start3A_121 : memref<1x128xi32, #tpu.memory_space<vmem>> -> memref<128xi32, #tpu.memory_space<vmem>>
      %dma_start3A_123 = arith.constant 0 : i32
      %dma_start3A_124 = arith.constant 0 : i32
      %dma_start3A_125 = tpu.memref_slice %arg3[%dma_start3A_123, %dma_start3A_124] : memref<875000x8xf32, #tpu.memory_space<hbm>> -> memref<875000x8xf32, #tpu.memory_space<hbm>>
      tpu.enqueue_indirect_dma source(%dma_start3A_125 : memref<875000x8xf32, #tpu.memory_space<hbm>>) target(%dma_start3A_119 : memref<128x8xf32, #tpu.memory_space<vmem>>) offsets(%dma_start3A_122 : memref<128xi32, #tpu.memory_space<vmem>>) semaphore(%arg14 : memref<!tpu.dma_semaphore, #tpu.memory_space<semaphore_mem>>)
      %dma_start3A_126 = arith.constant 2 : i32
      %dma_start3A_127 = arith.constant 2 : i32
      %dma_start3A_128 = arith.constant 0 : i32
      %dma_start3A_129 = arith.constant 0 : i32
      %dma_start3A_130 = tpu.memref_slice %arg11[%dma_start3A_127, %dma_start3A_128, %dma_start3A_129] : memref<5x128x8xf32, #tpu.memory_space<vmem>> -> memref<1x128x8xf32, #tpu.memory_space<vmem>>
      %dma_start3A_131 = tpu.memref_squeeze %dma_start3A_130 : memref<1x128x8xf32, #tpu.memory_space<vmem>> -> memref<128x8xf32, #tpu.memory_space<vmem>>
      %dma_start3A_132 = arith.constant 0 : i32
      %dma_start3A_133 = tpu.memref_slice %arg9[%dma_start3A_126, %dma_start3A_132] : memref<5x128xi32, #tpu.memory_space<vmem>> -> memref<1x128xi32, #tpu.memory_space<vmem>>
      %dma_start3A_134 = tpu.memref_squeeze %dma_start3A_133 : memref<1x128xi32, #tpu.memory_space<vmem>> -> memref<128xi32, #tpu.memory_space<vmem>>
      %dma_start3A_135 = arith.constant 0 : i32
      %dma_start3A_136 = arith.constant 0 : i32
      %dma_start3A_137 = tpu.memref_slice %arg3[%dma_start3A_135, %dma_start3A_136] : memref<875000x8xf32, #tpu.memory_space<hbm>> -> memref<875000x8xf32, #tpu.memory_space<hbm>>
      tpu.enqueue_indirect_dma source(%dma_start3A_137 : memref<875000x8xf32, #tpu.memory_space<hbm>>) target(%dma_start3A_131 : memref<128x8xf32, #tpu.memory_space<vmem>>) offsets(%dma_start3A_134 : memref<128xi32, #tpu.memory_space<vmem>>) semaphore(%arg14 : memref<!tpu.dma_semaphore, #tpu.memory_space<semaphore_mem>>)
      %dma_start3A_138 = arith.constant 3 : i32
      %dma_start3A_139 = arith.constant 3 : i32
      %dma_start3A_140 = arith.constant 0 : i32
      %dma_start3A_141 = arith.constant 0 : i32
      %dma_start3A_142 = tpu.memref_slice %arg11[%dma_start3A_139, %dma_start3A_140, %dma_start3A_141] : memref<5x128x8xf32, #tpu.memory_space<vmem>> -> memref<1x128x8xf32, #tpu.memory_space<vmem>>
      %dma_start3A_143 = tpu.memref_squeeze %dma_start3A_142 : memref<1x128x8xf32, #tpu.memory_space<vmem>> -> memref<128x8xf32, #tpu.memory_space<vmem>>
      %dma_start3A_144 = arith.constant 0 : i32
      %dma_start3A_145 = tpu.memref_slice %arg9[%dma_start3A_138, %dma_start3A_144] : memref<5x128xi32, #tpu.memory_space<vmem>> -> memref<1x128xi32, #tpu.memory_space<vmem>>
      %dma_start3A_146 = tpu.memref_squeeze %dma_start3A_145 : memref<1x128xi32, #tpu.memory_space<vmem>> -> memref<128xi32, #tpu.memory_space<vmem>>
      %dma_start3A_147 = arith.constant 0 : i32
      %dma_start3A_148 = arith.constant 0 : i32
      %dma_start3A_149 = tpu.memref_slice %arg3[%dma_start3A_147, %dma_start3A_148] : memref<875000x8xf32, #tpu.memory_space<hbm>> -> memref<875000x8xf32, #tpu.memory_space<hbm>>
      tpu.enqueue_indirect_dma source(%dma_start3A_149 : memref<875000x8xf32, #tpu.memory_space<hbm>>) target(%dma_start3A_143 : memref<128x8xf32, #tpu.memory_space<vmem>>) offsets(%dma_start3A_146 : memref<128xi32, #tpu.memory_space<vmem>>) semaphore(%arg14 : memref<!tpu.dma_semaphore, #tpu.memory_space<semaphore_mem>>)
      %dma_start3A_150 = arith.constant 4 : i32
      %dma_start3A_151 = arith.constant 4 : i32
      %dma_start3A_152 = arith.constant 0 : i32
      %dma_start3A_153 = arith.constant 0 : i32
      %dma_start3A_154 = tpu.memref_slice %arg11[%dma_start3A_151, %dma_start3A_152, %dma_start3A_153] : memref<5x128x8xf32, #tpu.memory_space<vmem>> -> memref<1x128x8xf32, #tpu.memory_space<vmem>>
      %dma_start3A_155 = tpu.memref_squeeze %dma_start3A_154 : memref<1x128x8xf32, #tpu.memory_space<vmem>> -> memref<128x8xf32, #tpu.memory_space<vmem>>
      %dma_start3A_156 = arith.constant 0 : i32
      %dma_start3A_157 = tpu.memref_slice %arg9[%dma_start3A_150, %dma_start3A_156] : memref<5x128xi32, #tpu.memory_space<vmem>> -> memref<1x128xi32, #tpu.memory_space<vmem>>
      %dma_start3A_158 = tpu.memref_squeeze %dma_start3A_157 : memref<1x128xi32, #tpu.memory_space<vmem>> -> memref<128xi32, #tpu.memory_space<vmem>>
      %dma_start3A_159 = arith.constant 0 : i32
      %dma_start3A_160 = arith.constant 0 : i32
      %dma_start3A_161 = tpu.memref_slice %arg3[%dma_start3A_159, %dma_start3A_160] : memref<875000x8xf32, #tpu.memory_space<hbm>> -> memref<875000x8xf32, #tpu.memory_space<hbm>>
      tpu.enqueue_indirect_dma source(%dma_start3A_161 : memref<875000x8xf32, #tpu.memory_space<hbm>>) target(%dma_start3A_155 : memref<128x8xf32, #tpu.memory_space<vmem>>) offsets(%dma_start3A_158 : memref<128xi32, #tpu.memory_space<vmem>>) semaphore(%arg14 : memref<!tpu.dma_semaphore, #tpu.memory_space<semaphore_mem>>)
      %dma_wait3A = arith.constant 0 : i32
      %dma_wait3A_162 = arith.constant 0 : i32
      %dma_wait3A_163 = arith.constant 0 : i32
      %dma_wait3A_164 = arith.constant 0 : i32
      %dma_wait3A_165 = tpu.memref_slice %arg8[%dma_wait3A_162, %dma_wait3A_163, %dma_wait3A_164] : memref<5x128x8xf32, #tpu.memory_space<vmem>> -> memref<1x128x8xf32, #tpu.memory_space<vmem>>
      %dma_wait3A_166 = tpu.memref_squeeze %dma_wait3A_165 : memref<1x128x8xf32, #tpu.memory_space<vmem>> -> memref<128x8xf32, #tpu.memory_space<vmem>>
      %dma_wait3A_167 = arith.constant 0 : i32
      %dma_wait3A_168 = tpu.memref_slice %arg6[%dma_wait3A, %dma_wait3A_167] : memref<5x128xi32, #tpu.memory_space<vmem>> -> memref<1x128xi32, #tpu.memory_space<vmem>>
      %dma_wait3A_169 = tpu.memref_squeeze %dma_wait3A_168 : memref<1x128xi32, #tpu.memory_space<vmem>> -> memref<128xi32, #tpu.memory_space<vmem>>
      %dma_wait3A_170 = arith.constant 0 : i32
      %dma_wait3A_171 = arith.constant 0 : i32
      %dma_wait3A_172 = tpu.memref_slice %arg3[%dma_wait3A_170, %dma_wait3A_171] : memref<875000x8xf32, #tpu.memory_space<hbm>> -> memref<875000x8xf32, #tpu.memory_space<hbm>>
      tpu.wait_indirect_dma semaphore(%arg13 : memref<!tpu.dma_semaphore, #tpu.memory_space<semaphore_mem>>) src(%dma_wait3A_172 : memref<875000x8xf32, #tpu.memory_space<hbm>>) dst(%dma_wait3A_166 : memref<128x8xf32, #tpu.memory_space<vmem>>)
      %dma_wait3A_173 = arith.constant 1 : i32
      %dma_wait3A_174 = arith.constant 1 : i32
      %dma_wait3A_175 = arith.constant 0 : i32
      %dma_wait3A_176 = arith.constant 0 : i32
      %dma_wait3A_177 = tpu.memref_slice %arg8[%dma_wait3A_174, %dma_wait3A_175, %dma_wait3A_176] : memref<5x128x8xf32, #tpu.memory_space<vmem>> -> memref<1x128x8xf32, #tpu.memory_space<vmem>>
      %dma_wait3A_178 = tpu.memref_squeeze %dma_wait3A_177 : memref<1x128x8xf32, #tpu.memory_space<vmem>> -> memref<128x8xf32, #tpu.memory_space<vmem>>
      %dma_wait3A_179 = arith.constant 0 : i32
      %dma_wait3A_180 = tpu.memref_slice %arg6[%dma_wait3A_173, %dma_wait3A_179] : memref<5x128xi32, #tpu.memory_space<vmem>> -> memref<1x128xi32, #tpu.memory_space<vmem>>
      %dma_wait3A_181 = tpu.memref_squeeze %dma_wait3A_180 : memref<1x128xi32, #tpu.memory_space<vmem>> -> memref<128xi32, #tpu.memory_space<vmem>>
      %dma_wait3A_182 = arith.constant 0 : i32
      %dma_wait3A_183 = arith.constant 0 : i32
      %dma_wait3A_184 = tpu.memref_slice %arg3[%dma_wait3A_182, %dma_wait3A_183] : memref<875000x8xf32, #tpu.memory_space<hbm>> -> memref<875000x8xf32, #tpu.memory_space<hbm>>
      tpu.wait_indirect_dma semaphore(%arg13 : memref<!tpu.dma_semaphore, #tpu.memory_space<semaphore_mem>>) src(%dma_wait3A_184 : memref<875000x8xf32, #tpu.memory_space<hbm>>) dst(%dma_wait3A_178 : memref<128x8xf32, #tpu.memory_space<vmem>>)
      %dma_wait3A_185 = arith.constant 2 : i32
      %dma_wait3A_186 = arith.constant 2 : i32
      %dma_wait3A_187 = arith.constant 0 : i32
      %dma_wait3A_188 = arith.constant 0 : i32
      %dma_wait3A_189 = tpu.memref_slice %arg8[%dma_wait3A_186, %dma_wait3A_187, %dma_wait3A_188] : memref<5x128x8xf32, #tpu.memory_space<vmem>> -> memref<1x128x8xf32, #tpu.memory_space<vmem>>
      %dma_wait3A_190 = tpu.memref_squeeze %dma_wait3A_189 : memref<1x128x8xf32, #tpu.memory_space<vmem>> -> memref<128x8xf32, #tpu.memory_space<vmem>>
      %dma_wait3A_191 = arith.constant 0 : i32
      %dma_wait3A_192 = tpu.memref_slice %arg6[%dma_wait3A_185, %dma_wait3A_191] : memref<5x128xi32, #tpu.memory_space<vmem>> -> memref<1x128xi32, #tpu.memory_space<vmem>>
      %dma_wait3A_193 = tpu.memref_squeeze %dma_wait3A_192 : memref<1x128xi32, #tpu.memory_space<vmem>> -> memref<128xi32, #tpu.memory_space<vmem>>
      %dma_wait3A_194 = arith.constant 0 : i32
      %dma_wait3A_195 = arith.constant 0 : i32
      %dma_wait3A_196 = tpu.memref_slice %arg3[%dma_wait3A_194, %dma_wait3A_195] : memref<875000x8xf32, #tpu.memory_space<hbm>> -> memref<875000x8xf32, #tpu.memory_space<hbm>>
      tpu.wait_indirect_dma semaphore(%arg13 : memref<!tpu.dma_semaphore, #tpu.memory_space<semaphore_mem>>) src(%dma_wait3A_196 : memref<875000x8xf32, #tpu.memory_space<hbm>>) dst(%dma_wait3A_190 : memref<128x8xf32, #tpu.memory_space<vmem>>)
      %dma_wait3A_197 = arith.constant 3 : i32
      %dma_wait3A_198 = arith.constant 3 : i32
      %dma_wait3A_199 = arith.constant 0 : i32
      %dma_wait3A_200 = arith.constant 0 : i32
      %dma_wait3A_201 = tpu.memref_slice %arg8[%dma_wait3A_198, %dma_wait3A_199, %dma_wait3A_200] : memref<5x128x8xf32, #tpu.memory_space<vmem>> -> memref<1x128x8xf32, #tpu.memory_space<vmem>>
      %dma_wait3A_202 = tpu.memref_squeeze %dma_wait3A_201 : memref<1x128x8xf32, #tpu.memory_space<vmem>> -> memref<128x8xf32, #tpu.memory_space<vmem>>
      %dma_wait3A_203 = arith.constant 0 : i32
      %dma_wait3A_204 = tpu.memref_slice %arg6[%dma_wait3A_197, %dma_wait3A_203] : memref<5x128xi32, #tpu.memory_space<vmem>> -> memref<1x128xi32, #tpu.memory_space<vmem>>
      %dma_wait3A_205 = tpu.memref_squeeze %dma_wait3A_204 : memref<1x128xi32, #tpu.memory_space<vmem>> -> memref<128xi32, #tpu.memory_space<vmem>>
      %dma_wait3A_206 = arith.constant 0 : i32
      %dma_wait3A_207 = arith.constant 0 : i32
      %dma_wait3A_208 = tpu.memref_slice %arg3[%dma_wait3A_206, %dma_wait3A_207] : memref<875000x8xf32, #tpu.memory_space<hbm>> -> memref<875000x8xf32, #tpu.memory_space<hbm>>
      tpu.wait_indirect_dma semaphore(%arg13 : memref<!tpu.dma_semaphore, #tpu.memory_space<semaphore_mem>>) src(%dma_wait3A_208 : memref<875000x8xf32, #tpu.memory_space<hbm>>) dst(%dma_wait3A_202 : memref<128x8xf32, #tpu.memory_space<vmem>>)
      %dma_wait3A_209 = arith.constant 4 : i32
      %dma_wait3A_210 = arith.constant 4 : i32
      %dma_wait3A_211 = arith.constant 0 : i32
      %dma_wait3A_212 = arith.constant 0 : i32
      %dma_wait3A_213 = tpu.memref_slice %arg8[%dma_wait3A_210, %dma_wait3A_211, %dma_wait3A_212] : memref<5x128x8xf32, #tpu.memory_space<vmem>> -> memref<1x128x8xf32, #tpu.memory_space<vmem>>
      %dma_wait3A_214 = tpu.memref_squeeze %dma_wait3A_213 : memref<1x128x8xf32, #tpu.memory_space<vmem>> -> memref<128x8xf32, #tpu.memory_space<vmem>>
      %dma_wait3A_215 = arith.constant 0 : i32
      %dma_wait3A_216 = tpu.memref_slice %arg6[%dma_wait3A_209, %dma_wait3A_215] : memref<5x128xi32, #tpu.memory_space<vmem>> -> memref<1x128xi32, #tpu.memory_space<vmem>>
      %dma_wait3A_217 = tpu.memref_squeeze %dma_wait3A_216 : memref<1x128xi32, #tpu.memory_space<vmem>> -> memref<128xi32, #tpu.memory_space<vmem>>
      %dma_wait3A_218 = arith.constant 0 : i32
      %dma_wait3A_219 = arith.constant 0 : i32
      %dma_wait3A_220 = tpu.memref_slice %arg3[%dma_wait3A_218, %dma_wait3A_219] : memref<875000x8xf32, #tpu.memory_space<hbm>> -> memref<875000x8xf32, #tpu.memory_space<hbm>>
      tpu.wait_indirect_dma semaphore(%arg13 : memref<!tpu.dma_semaphore, #tpu.memory_space<semaphore_mem>>) src(%dma_wait3A_220 : memref<875000x8xf32, #tpu.memory_space<hbm>>) dst(%dma_wait3A_214 : memref<128x8xf32, #tpu.memory_space<vmem>>)
      %scan3A_221 = arith.constant 0 : i32
      %scan3A_222 = arith.constant 0 : i32
      %scan3A_223 = arith.constant 8 : i32
      %scan3A_224 = arith.addi %scan3A_222, %scan3A_223 : i32
      %scan3A_225 = arith.constant 1 : i32
      scf.for %scan3A_315 = %scan3A_222 to %scan3A_224 step %scan3A_225  : i32 {
        %iota3A = tpu.iota {dimensions = array<i32: 0>} : vector<16xi32>
        %mul3A_316 = arith.constant 16 : i32
        %mul3A_317 = arith.muli %scan3A_315, %mul3A_316 : i32
        %add3A_318 = vector.broadcast %mul3A_317 : i32 to vector<16xi32>
        %add3A_319 = arith.addi %iota3A, %add3A_318 : vector<16xi32>
        %mul3A_320 = arith.constant 16 : i32
        %mul3A_321 = arith.muli %scan3A_315, %mul3A_320 : i32
        %get3A = arith.index_cast %mul3A_321 : i32 to index
        %get3A_322 = tpu.vector_load %arg7[%get3A] {strides = array<i32>} : memref<128xi32, #tpu.memory_space<vmem>>, vector<16xi32>,
        %broadcast_in_dim3A = arith.constant 0 : i32
        %broadcast_in_dim3A_323 = vector.broadcast %broadcast_in_dim3A : i32 to vector<16xi32>
        %add3A_324 = arith.constant 0 : i32
        %add3A_325 = vector.broadcast %add3A_324 : i32 to vector<16xi32>
        %add3A_326 = arith.addi %broadcast_in_dim3A_323, %add3A_325 : vector<16xi32>
        %gather3A = tpu.vector_load_idx %arg8[%add3A_326, %add3A_319, %get3A_322] : memref<5x128x8xf32, #tpu.memory_space<vmem>>[vector<16xi32>, vector<16xi32>, vector<16xi32>], vector<16xf32>,
        %mul3A_327 = arith.constant 16 : i32
        %mul3A_328 = arith.muli %scan3A_315, %mul3A_327 : i32
        %swap3A = arith.constant 0 : i32
        %swap3A_329 = arith.index_cast %swap3A : i32 to index
        %swap3A_330 = arith.index_cast %mul3A_328 : i32 to index
        %swap3A_331 = tpu.vector_load %arg12[%swap3A_329, %swap3A_330] {strides = array<i32>} : memref<5x128xf32, #tpu.memory_space<vmem>>, vector<16xf32>,
        tpu.vector_store %arg12[%swap3A_329, %swap3A_330], %gather3A {strides = array<i32>} : memref<5x128xf32, #tpu.memory_space<vmem>>, vector<16xf32>,
        %broadcast_in_dim3A_332 = arith.constant 0 : i32
        %broadcast_in_dim3A_333 = vector.broadcast %broadcast_in_dim3A_332 : i32 to vector<16xi32>
        %add3A_334 = arith.constant 1 : i32
        %add3A_335 = vector.broadcast %add3A_334 : i32 to vector<16xi32>
        %add3A_336 = arith.addi %broadcast_in_dim3A_333, %add3A_335 : vector<16xi32>
        %gather3A_337 = tpu.vector_load_idx %arg8[%add3A_336, %add3A_319, %get3A_322] : memref<5x128x8xf32, #tpu.memory_space<vmem>>[vector<16xi32>, vector<16xi32>, vector<16xi32>], vector<16xf32>,
        %mul3A_338 = arith.constant 16 : i32
        %mul3A_339 = arith.muli %scan3A_315, %mul3A_338 : i32
        %swap3A_340 = arith.constant 1 : i32
        %swap3A_341 = arith.index_cast %swap3A_340 : i32 to index
        %swap3A_342 = arith.index_cast %mul3A_339 : i32 to index
        %swap3A_343 = tpu.vector_load %arg12[%swap3A_341, %swap3A_342] {strides = array<i32>} : memref<5x128xf32, #tpu.memory_space<vmem>>, vector<16xf32>,
        tpu.vector_store %arg12[%swap3A_341, %swap3A_342], %gather3A_337 {strides = array<i32>} : memref<5x128xf32, #tpu.memory_space<vmem>>, vector<16xf32>,
        %broadcast_in_dim3A_344 = arith.constant 0 : i32
        %broadcast_in_dim3A_345 = vector.broadcast %broadcast_in_dim3A_344 : i32 to vector<16xi32>
        %add3A_346 = arith.constant 2 : i32
        %add3A_347 = vector.broadcast %add3A_346 : i32 to vector<16xi32>
        %add3A_348 = arith.addi %broadcast_in_dim3A_345, %add3A_347 : vector<16xi32>
        %gather3A_349 = tpu.vector_load_idx %arg8[%add3A_348, %add3A_319, %get3A_322] : memref<5x128x8xf32, #tpu.memory_space<vmem>>[vector<16xi32>, vector<16xi32>, vector<16xi32>], vector<16xf32>,
        %mul3A_350 = arith.constant 16 : i32
        %mul3A_351 = arith.muli %scan3A_315, %mul3A_350 : i32
        %swap3A_352 = arith.constant 2 : i32
        %swap3A_353 = arith.index_cast %swap3A_352 : i32 to index
        %swap3A_354 = arith.index_cast %mul3A_351 : i32 to index
        %swap3A_355 = tpu.vector_load %arg12[%swap3A_353, %swap3A_354] {strides = array<i32>} : memref<5x128xf32, #tpu.memory_space<vmem>>, vector<16xf32>,
        tpu.vector_store %arg12[%swap3A_353, %swap3A_354], %gather3A_349 {strides = array<i32>} : memref<5x128xf32, #tpu.memory_space<vmem>>, vector<16xf32>,
        %broadcast_in_dim3A_356 = arith.constant 0 : i32
        %broadcast_in_dim3A_357 = vector.broadcast %broadcast_in_dim3A_356 : i32 to vector<16xi32>
        %add3A_358 = arith.constant 3 : i32
        %add3A_359 = vector.broadcast %add3A_358 : i32 to vector<16xi32>
        %add3A_360 = arith.addi %broadcast_in_dim3A_357, %add3A_359 : vector<16xi32>
        %gather3A_361 = tpu.vector_load_idx %arg8[%add3A_360, %add3A_319, %get3A_322] : memref<5x128x8xf32, #tpu.memory_space<vmem>>[vector<16xi32>, vector<16xi32>, vector<16xi32>], vector<16xf32>,
        %mul3A_362 = arith.constant 16 : i32
        %mul3A_363 = arith.muli %scan3A_315, %mul3A_362 : i32
        %swap3A_364 = arith.constant 3 : i32
        %swap3A_365 = arith.index_cast %swap3A_364 : i32 to index
        %swap3A_366 = arith.index_cast %mul3A_363 : i32 to index
        %swap3A_367 = tpu.vector_load %arg12[%swap3A_365, %swap3A_366] {strides = array<i32>} : memref<5x128xf32, #tpu.memory_space<vmem>>, vector<16xf32>,
        tpu.vector_store %arg12[%swap3A_365, %swap3A_366], %gather3A_361 {strides = array<i32>} : memref<5x128xf32, #tpu.memory_space<vmem>>, vector<16xf32>,
        %broadcast_in_dim3A_368 = arith.constant 0 : i32
        %broadcast_in_dim3A_369 = vector.broadcast %broadcast_in_dim3A_368 : i32 to vector<16xi32>
        %add3A_370 = arith.constant 4 : i32
        %add3A_371 = vector.broadcast %add3A_370 : i32 to vector<16xi32>
        %add3A_372 = arith.addi %broadcast_in_dim3A_369, %add3A_371 : vector<16xi32>
        %gather3A_373 = tpu.vector_load_idx %arg8[%add3A_372, %add3A_319, %get3A_322] : memref<5x128x8xf32, #tpu.memory_space<vmem>>[vector<16xi32>, vector<16xi32>, vector<16xi32>], vector<16xf32>,
        %mul3A_374 = arith.constant 16 : i32
        %mul3A_375 = arith.muli %scan3A_315, %mul3A_374 : i32
        %swap3A_376 = arith.constant 4 : i32
        %swap3A_377 = arith.index_cast %swap3A_376 : i32 to index
        %swap3A_378 = arith.index_cast %mul3A_375 : i32 to index
        %swap3A_379 = tpu.vector_load %arg12[%swap3A_377, %swap3A_378] {strides = array<i32>} : memref<5x128xf32, #tpu.memory_space<vmem>>, vector<16xf32>,
        tpu.vector_store %arg12[%swap3A_377, %swap3A_378], %gather3A_373 {strides = array<i32>} : memref<5x128xf32, #tpu.memory_space<vmem>>, vector<16xf32>,
      }
      %scan3A_226 = arith.constant 8 : i32
      %shift_right_logical3A_227 = arith.constant 2 : i32
      %shift_right_logical3A_228 = arith.shrui %mul3A_85, %shift_right_logical3A_227 : i32
      %and3A_229 = arith.constant 3 : i32
      %and3A_230 = arith.andi %mul3A_85, %and3A_229 : i32
      %mul3A_231 = arith.constant 128 : i32
      %mul3A_232 = arith.muli %and3A_230, %mul3A_231 : i32
      %add3A_233 = arith.addi %mul3A_2, %mul3A_232 : i32
      %mul3A_234 = arith.constant 5 : i32
      %mul3A_235 = arith.muli %shift_right_logical3A_228, %mul3A_234 : i32
      "tpu.region"() ({
        %run_scoped3A = tpu.sem_alloc : memref<!tpu.dma_semaphore, #tpu.memory_space<semaphore_mem>>
        %dma_start3A_315 = tpu.memref_slice %arg4[%mul3A_235, %add3A_233] : memref<70x16384xf32, #tpu.memory_space<hbm>> -> memref<5x128xf32, #tpu.memory_space<hbm>>
        %dma_start3A_316 = tpu.memref_slice %arg4[%mul3A_235, %add3A_233] : memref<70x16384xf32, #tpu.memory_space<hbm>> -> memref<5x128xf32, #tpu.memory_space<hbm>>
        tpu.enqueue_dma source(%arg12 : memref<5x128xf32, #tpu.memory_space<vmem>>) target(%dma_start3A_316 : memref<5x128xf32, #tpu.memory_space<hbm>>) target_semaphore(%run_scoped3A : memref<!tpu.dma_semaphore, #tpu.memory_space<semaphore_mem>>)
        %dma_wait3A_317 = tpu.memref_slice %arg4[%mul3A_235, %add3A_233] : memref<70x16384xf32, #tpu.memory_space<hbm>> -> memref<5x128xf32, #tpu.memory_space<hbm>>
        %dma_wait3A_318 = tpu.memref_slice %arg4[%mul3A_235, %add3A_233] : memref<70x16384xf32, #tpu.memory_space<hbm>> -> memref<5x128xf32, #tpu.memory_space<hbm>>
        tpu.wait_dma2 semaphore(%run_scoped3A : memref<!tpu.dma_semaphore, #tpu.memory_space<semaphore_mem>>) src(%arg12 : memref<5x128xf32, #tpu.memory_space<vmem>>) dst(%dma_wait3A_318 : memref<5x128xf32, #tpu.memory_space<hbm>>)
        tpu.yield
      }) : () -> ()
      %ne3A = arith.constant 27 : i32
      %ne3A_236 = arith.cmpi ne, %scan3A_83, %ne3A : i32
      %convert_element_type3A = arith.extui %ne3A_236 : i1 to i32
      %cond3A = arith.constant 0 : i32
      %cond3A_237 = arith.cmpi ne, %convert_element_type3A, %cond3A : i32
      scf.if %cond3A_237 {
        %add3A_315 = arith.constant 2 : i32
        %add3A_316 = arith.addi %mul3A_85, %add3A_315 : i32
        %shift_right_logical3A_317 = arith.constant 2 : i32
        %shift_right_logical3A_318 = arith.shrui %add3A_316, %shift_right_logical3A_317 : i32
        %and3A_319 = arith.constant 3 : i32
        %and3A_320 = arith.andi %add3A_316, %and3A_319 : i32
        %add3A_321 = arith.constant 2 : i32
        %add3A_322 = arith.addi %shift_right_logical3A_318, %add3A_321 : i32
        %mul3A_323 = arith.constant 100000 : i32
        %mul3A_324 = arith.muli %shift_right_logical3A_318, %mul3A_323 : i32
        %scan3A_325 = arith.constant 0 : i32
        %scan3A_326 = arith.constant 0 : i32
        %scan3A_327 = arith.constant 8 : i32
        %scan3A_328 = arith.addi %scan3A_326, %scan3A_327 : i32
        %scan3A_329 = arith.constant 1 : i32
        scf.for %scan3A_391 = %scan3A_326 to %scan3A_328 step %scan3A_329  : i32 {
          %iota3A = tpu.iota {dimensions = array<i32: 0>} : vector<16xi32>
          %mul3A_392 = arith.constant 128 : i32
          %mul3A_393 = arith.muli %and3A_320, %mul3A_392 : i32
          %mul3A_394 = arith.constant 16 : i32
          %mul3A_395 = arith.muli %scan3A_391, %mul3A_394 : i32
          %add3A_396 = arith.addi %mul3A_393, %mul3A_395 : i32
          %add3A_397 = vector.broadcast %add3A_396 : i32 to vector<16xi32>
          %add3A_398 = arith.addi %iota3A, %add3A_397 : vector<16xi32>
          %mul3A_399 = arith.constant 16 : i32
          %mul3A_400 = vector.broadcast %mul3A_399 : i32 to vector<16xi32>
          %mul3A_401 = arith.muli %add3A_398, %mul3A_400 : vector<16xi32>
          %add3A_402 = vector.broadcast %add3A_322 : i32 to vector<16xi32>
          %add3A_403 = arith.addi %mul3A_401, %add3A_402 : vector<16xi32>
          %gather3A = tpu.vector_load_idx %arg5[%add3A_403] : memref<8192xf32, #tpu.memory_space<vmem>>[vector<16xi32>], vector<16xf32>,
          %convert_element_type3A_404 = arith.fptosi %gather3A : vector<16xf32> to vector<16xi32>
          %add3A_405 = vector.broadcast %mul3A_324 : i32 to vector<16xi32>
          %add3A_406 = arith.addi %convert_element_type3A_404, %add3A_405 : vector<16xi32>
          %shift_right_logical3A_407 = arith.constant 3 : i32
          %shift_right_logical3A_408 = vector.broadcast %shift_right_logical3A_407 : i32 to vector<16xi32>
          %shift_right_logical3A_409 = arith.shrui %add3A_406, %shift_right_logical3A_408 : vector<16xi32>
          %add3A_410 = arith.constant 0 : i32
          %add3A_411 = vector.broadcast %add3A_410 : i32 to vector<16xi32>
          %add3A_412 = arith.addi %shift_right_logical3A_409, %add3A_411 : vector<16xi32>
          %mul3A_413 = arith.constant 16 : i32
          %mul3A_414 = arith.muli %scan3A_391, %mul3A_413 : i32
          %swap3A = arith.constant 0 : i32
          %swap3A_415 = arith.index_cast %swap3A : i32 to index
          %swap3A_416 = arith.index_cast %mul3A_414 : i32 to index
          %swap3A_417 = tpu.vector_load %arg6[%swap3A_415, %swap3A_416] {strides = array<i32>} : memref<5x128xi32, #tpu.memory_space<vmem>>, vector<16xi32>,
          tpu.vector_store %arg6[%swap3A_415, %swap3A_416], %add3A_412 {strides = array<i32>} : memref<5x128xi32, #tpu.memory_space<vmem>>, vector<16xi32>,
          %add3A_418 = arith.constant 175000 : i32
          %add3A_419 = vector.broadcast %add3A_418 : i32 to vector<16xi32>
          %add3A_420 = arith.addi %shift_right_logical3A_409, %add3A_419 : vector<16xi32>
          %mul3A_421 = arith.constant 16 : i32
          %mul3A_422 = arith.muli %scan3A_391, %mul3A_421 : i32
          %swap3A_423 = arith.constant 1 : i32
          %swap3A_424 = arith.index_cast %swap3A_423 : i32 to index
          %swap3A_425 = arith.index_cast %mul3A_422 : i32 to index
          %swap3A_426 = tpu.vector_load %arg6[%swap3A_424, %swap3A_425] {strides = array<i32>} : memref<5x128xi32, #tpu.memory_space<vmem>>, vector<16xi32>,
          tpu.vector_store %arg6[%swap3A_424, %swap3A_425], %add3A_420 {strides = array<i32>} : memref<5x128xi32, #tpu.memory_space<vmem>>, vector<16xi32>,
          %add3A_427 = arith.constant 350000 : i32
          %add3A_428 = vector.broadcast %add3A_427 : i32 to vector<16xi32>
          %add3A_429 = arith.addi %shift_right_logical3A_409, %add3A_428 : vector<16xi32>
          %mul3A_430 = arith.constant 16 : i32
          %mul3A_431 = arith.muli %scan3A_391, %mul3A_430 : i32
          %swap3A_432 = arith.constant 2 : i32
          %swap3A_433 = arith.index_cast %swap3A_432 : i32 to index
          %swap3A_434 = arith.index_cast %mul3A_431 : i32 to index
          %swap3A_435 = tpu.vector_load %arg6[%swap3A_433, %swap3A_434] {strides = array<i32>} : memref<5x128xi32, #tpu.memory_space<vmem>>, vector<16xi32>,
          tpu.vector_store %arg6[%swap3A_433, %swap3A_434], %add3A_429 {strides = array<i32>} : memref<5x128xi32, #tpu.memory_space<vmem>>, vector<16xi32>,
          %add3A_436 = arith.constant 525000 : i32
          %add3A_437 = vector.broadcast %add3A_436 : i32 to vector<16xi32>
          %add3A_438 = arith.addi %shift_right_logical3A_409, %add3A_437 : vector<16xi32>
          %mul3A_439 = arith.constant 16 : i32
          %mul3A_440 = arith.muli %scan3A_391, %mul3A_439 : i32
          %swap3A_441 = arith.constant 3 : i32
          %swap3A_442 = arith.index_cast %swap3A_441 : i32 to index
          %swap3A_443 = arith.index_cast %mul3A_440 : i32 to index
          %swap3A_444 = tpu.vector_load %arg6[%swap3A_442, %swap3A_443] {strides = array<i32>} : memref<5x128xi32, #tpu.memory_space<vmem>>, vector<16xi32>,
          tpu.vector_store %arg6[%swap3A_442, %swap3A_443], %add3A_438 {strides = array<i32>} : memref<5x128xi32, #tpu.memory_space<vmem>>, vector<16xi32>,
          %add3A_445 = arith.constant 700000 : i32
          %add3A_446 = vector.broadcast %add3A_445 : i32 to vector<16xi32>
          %add3A_447 = arith.addi %shift_right_logical3A_409, %add3A_446 : vector<16xi32>
          %mul3A_448 = arith.constant 16 : i32
          %mul3A_449 = arith.muli %scan3A_391, %mul3A_448 : i32
          %swap3A_450 = arith.constant 4 : i32
          %swap3A_451 = arith.index_cast %swap3A_450 : i32 to index
          %swap3A_452 = arith.index_cast %mul3A_449 : i32 to index
          %swap3A_453 = tpu.vector_load %arg6[%swap3A_451, %swap3A_452] {strides = array<i32>} : memref<5x128xi32, #tpu.memory_space<vmem>>, vector<16xi32>,
          tpu.vector_store %arg6[%swap3A_451, %swap3A_452], %add3A_447 {strides = array<i32>} : memref<5x128xi32, #tpu.memory_space<vmem>>, vector<16xi32>,
          %and3A_454 = arith.constant 7 : i32
          %and3A_455 = vector.broadcast %and3A_454 : i32 to vector<16xi32>
          %and3A_456 = arith.andi %add3A_406, %and3A_455 : vector<16xi32>
          %mul3A_457 = arith.constant 16 : i32
          %mul3A_458 = arith.muli %scan3A_391, %mul3A_457 : i32
          %swap3A_459 = arith.index_cast %mul3A_458 : i32 to index
          %swap3A_460 = tpu.vector_load %arg7[%swap3A_459] {strides = array<i32>} : memref<128xi32, #tpu.memory_space<vmem>>, vector<16xi32>,
          tpu.vector_store %arg7[%swap3A_459], %and3A_456 {strides = array<i32>} : memref<128xi32, #tpu.memory_space<vmem>>, vector<16xi32>,
        }
        %scan3A_330 = arith.constant 8 : i32
        %dma_start3A_331 = arith.constant 0 : i32
        %dma_start3A_332 = arith.constant 0 : i32
        %dma_start3A_333 = arith.constant 0 : i32
        %dma_start3A_334 = arith.constant 0 : i32
        %dma_start3A_335 = tpu.memref_slice %arg8[%dma_start3A_332, %dma_start3A_333, %dma_start3A_334] : memref<5x128x8xf32, #tpu.memory_space<vmem>> -> memref<1x128x8xf32, #tpu.memory_space<vmem>>
        %dma_start3A_336 = tpu.memref_squeeze %dma_start3A_335 : memref<1x128x8xf32, #tpu.memory_space<vmem>> -> memref<128x8xf32, #tpu.memory_space<vmem>>
        %dma_start3A_337 = arith.constant 0 : i32
        %dma_start3A_338 = tpu.memref_slice %arg6[%dma_start3A_331, %dma_start3A_337] : memref<5x128xi32, #tpu.memory_space<vmem>> -> memref<1x128xi32, #tpu.memory_space<vmem>>
        %dma_start3A_339 = tpu.memref_squeeze %dma_start3A_338 : memref<1x128xi32, #tpu.memory_space<vmem>> -> memref<128xi32, #tpu.memory_space<vmem>>
        %dma_start3A_340 = arith.constant 0 : i32
        %dma_start3A_341 = arith.constant 0 : i32
        %dma_start3A_342 = tpu.memref_slice %arg3[%dma_start3A_340, %dma_start3A_341] : memref<875000x8xf32, #tpu.memory_space<hbm>> -> memref<875000x8xf32, #tpu.memory_space<hbm>>
        tpu.enqueue_indirect_dma source(%dma_start3A_342 : memref<875000x8xf32, #tpu.memory_space<hbm>>) target(%dma_start3A_336 : memref<128x8xf32, #tpu.memory_space<vmem>>) offsets(%dma_start3A_339 : memref<128xi32, #tpu.memory_space<vmem>>) semaphore(%arg13 : memref<!tpu.dma_semaphore, #tpu.memory_space<semaphore_mem>>)
        %dma_start3A_343 = arith.constant 1 : i32
        %dma_start3A_344 = arith.constant 1 : i32
        %dma_start3A_345 = arith.constant 0 : i32
        %dma_start3A_346 = arith.constant 0 : i32
        %dma_start3A_347 = tpu.memref_slice %arg8[%dma_start3A_344, %dma_start3A_345, %dma_start3A_346] : memref<5x128x8xf32, #tpu.memory_space<vmem>> -> memref<1x128x8xf32, #tpu.memory_space<vmem>>
        %dma_start3A_348 = tpu.memref_squeeze %dma_start3A_347 : memref<1x128x8xf32, #tpu.memory_space<vmem>> -> memref<128x8xf32, #tpu.memory_space<vmem>>
        %dma_start3A_349 = arith.constant 0 : i32
        %dma_start3A_350 = tpu.memref_slice %arg6[%dma_start3A_343, %dma_start3A_349] : memref<5x128xi32, #tpu.memory_space<vmem>> -> memref<1x128xi32, #tpu.memory_space<vmem>>
        %dma_start3A_351 = tpu.memref_squeeze %dma_start3A_350 : memref<1x128xi32, #tpu.memory_space<vmem>> -> memref<128xi32, #tpu.memory_space<vmem>>
        %dma_start3A_352 = arith.constant 0 : i32
        %dma_start3A_353 = arith.constant 0 : i32
        %dma_start3A_354 = tpu.memref_slice %arg3[%dma_start3A_352, %dma_start3A_353] : memref<875000x8xf32, #tpu.memory_space<hbm>> -> memref<875000x8xf32, #tpu.memory_space<hbm>>
        tpu.enqueue_indirect_dma source(%dma_start3A_354 : memref<875000x8xf32, #tpu.memory_space<hbm>>) target(%dma_start3A_348 : memref<128x8xf32, #tpu.memory_space<vmem>>) offsets(%dma_start3A_351 : memref<128xi32, #tpu.memory_space<vmem>>) semaphore(%arg13 : memref<!tpu.dma_semaphore, #tpu.memory_space<semaphore_mem>>)
        %dma_start3A_355 = arith.constant 2 : i32
        %dma_start3A_356 = arith.constant 2 : i32
        %dma_start3A_357 = arith.constant 0 : i32
        %dma_start3A_358 = arith.constant 0 : i32
        %dma_start3A_359 = tpu.memref_slice %arg8[%dma_start3A_356, %dma_start3A_357, %dma_start3A_358] : memref<5x128x8xf32, #tpu.memory_space<vmem>> -> memref<1x128x8xf32, #tpu.memory_space<vmem>>
        %dma_start3A_360 = tpu.memref_squeeze %dma_start3A_359 : memref<1x128x8xf32, #tpu.memory_space<vmem>> -> memref<128x8xf32, #tpu.memory_space<vmem>>
        %dma_start3A_361 = arith.constant 0 : i32
        %dma_start3A_362 = tpu.memref_slice %arg6[%dma_start3A_355, %dma_start3A_361] : memref<5x128xi32, #tpu.memory_space<vmem>> -> memref<1x128xi32, #tpu.memory_space<vmem>>
        %dma_start3A_363 = tpu.memref_squeeze %dma_start3A_362 : memref<1x128xi32, #tpu.memory_space<vmem>> -> memref<128xi32, #tpu.memory_space<vmem>>
        %dma_start3A_364 = arith.constant 0 : i32
        %dma_start3A_365 = arith.constant 0 : i32
        %dma_start3A_366 = tpu.memref_slice %arg3[%dma_start3A_364, %dma_start3A_365] : memref<875000x8xf32, #tpu.memory_space<hbm>> -> memref<875000x8xf32, #tpu.memory_space<hbm>>
        tpu.enqueue_indirect_dma source(%dma_start3A_366 : memref<875000x8xf32, #tpu.memory_space<hbm>>) target(%dma_start3A_360 : memref<128x8xf32, #tpu.memory_space<vmem>>) offsets(%dma_start3A_363 : memref<128xi32, #tpu.memory_space<vmem>>) semaphore(%arg13 : memref<!tpu.dma_semaphore, #tpu.memory_space<semaphore_mem>>)
        %dma_start3A_367 = arith.constant 3 : i32
        %dma_start3A_368 = arith.constant 3 : i32
        %dma_start3A_369 = arith.constant 0 : i32
        %dma_start3A_370 = arith.constant 0 : i32
        %dma_start3A_371 = tpu.memref_slice %arg8[%dma_start3A_368, %dma_start3A_369, %dma_start3A_370] : memref<5x128x8xf32, #tpu.memory_space<vmem>> -> memref<1x128x8xf32, #tpu.memory_space<vmem>>
        %dma_start3A_372 = tpu.memref_squeeze %dma_start3A_371 : memref<1x128x8xf32, #tpu.memory_space<vmem>> -> memref<128x8xf32, #tpu.memory_space<vmem>>
        %dma_start3A_373 = arith.constant 0 : i32
        %dma_start3A_374 = tpu.memref_slice %arg6[%dma_start3A_367, %dma_start3A_373] : memref<5x128xi32, #tpu.memory_space<vmem>> -> memref<1x128xi32, #tpu.memory_space<vmem>>
        %dma_start3A_375 = tpu.memref_squeeze %dma_start3A_374 : memref<1x128xi32, #tpu.memory_space<vmem>> -> memref<128xi32, #tpu.memory_space<vmem>>
        %dma_start3A_376 = arith.constant 0 : i32
        %dma_start3A_377 = arith.constant 0 : i32
        %dma_start3A_378 = tpu.memref_slice %arg3[%dma_start3A_376, %dma_start3A_377] : memref<875000x8xf32, #tpu.memory_space<hbm>> -> memref<875000x8xf32, #tpu.memory_space<hbm>>
        tpu.enqueue_indirect_dma source(%dma_start3A_378 : memref<875000x8xf32, #tpu.memory_space<hbm>>) target(%dma_start3A_372 : memref<128x8xf32, #tpu.memory_space<vmem>>) offsets(%dma_start3A_375 : memref<128xi32, #tpu.memory_space<vmem>>) semaphore(%arg13 : memref<!tpu.dma_semaphore, #tpu.memory_space<semaphore_mem>>)
        %dma_start3A_379 = arith.constant 4 : i32
        %dma_start3A_380 = arith.constant 4 : i32
        %dma_start3A_381 = arith.constant 0 : i32
        %dma_start3A_382 = arith.constant 0 : i32
        %dma_start3A_383 = tpu.memref_slice %arg8[%dma_start3A_380, %dma_start3A_381, %dma_start3A_382] : memref<5x128x8xf32, #tpu.memory_space<vmem>> -> memref<1x128x8xf32, #tpu.memory_space<vmem>>
        %dma_start3A_384 = tpu.memref_squeeze %dma_start3A_383 : memref<1x128x8xf32, #tpu.memory_space<vmem>> -> memref<128x8xf32, #tpu.memory_space<vmem>>
        %dma_start3A_385 = arith.constant 0 : i32
        %dma_start3A_386 = tpu.memref_slice %arg6[%dma_start3A_379, %dma_start3A_385] : memref<5x128xi32, #tpu.memory_space<vmem>> -> memref<1x128xi32, #tpu.memory_space<vmem>>
        %dma_start3A_387 = tpu.memref_squeeze %dma_start3A_386 : memref<1x128xi32, #tpu.memory_space<vmem>> -> memref<128xi32, #tpu.memory_space<vmem>>
        %dma_start3A_388 = arith.constant 0 : i32
        %dma_start3A_389 = arith.constant 0 : i32
        %dma_start3A_390 = tpu.memref_slice %arg3[%dma_start3A_388, %dma_start3A_389] : memref<875000x8xf32, #tpu.memory_space<hbm>> -> memref<875000x8xf32, #tpu.memory_space<hbm>>
        tpu.enqueue_indirect_dma source(%dma_start3A_390 : memref<875000x8xf32, #tpu.memory_space<hbm>>) target(%dma_start3A_384 : memref<128x8xf32, #tpu.memory_space<vmem>>) offsets(%dma_start3A_387 : memref<128xi32, #tpu.memory_space<vmem>>) semaphore(%arg13 : memref<!tpu.dma_semaphore, #tpu.memory_space<semaphore_mem>>)
      } else {
      }
      %add3A_238 = arith.constant 1 : i32
      %add3A_239 = arith.addi %mul3A_85, %add3A_238 : i32
      %dma_wait3A_240 = arith.constant 0 : i32
      %dma_wait3A_241 = arith.constant 0 : i32
      %dma_wait3A_242 = arith.constant 0 : i32
      %dma_wait3A_243 = arith.constant 0 : i32
      %dma_wait3A_244 = tpu.memref_slice %arg11[%dma_wait3A_241, %dma_wait3A_242, %dma_wait3A_243] : memref<5x128x8xf32, #tpu.memory_space<vmem>> -> memref<1x128x8xf32, #tpu.memory_space<vmem>>
      %dma_wait3A_245 = tpu.memref_squeeze %dma_wait3A_244 : memref<1x128x8xf32, #tpu.memory_space<vmem>> -> memref<128x8xf32, #tpu.memory_space<vmem>>
      %dma_wait3A_246 = arith.constant 0 : i32
      %dma_wait3A_247 = tpu.memref_slice %arg9[%dma_wait3A_240, %dma_wait3A_246] : memref<5x128xi32, #tpu.memory_space<vmem>> -> memref<1x128xi32, #tpu.memory_space<vmem>>
      %dma_wait3A_248 = tpu.memref_squeeze %dma_wait3A_247 : memref<1x128xi32, #tpu.memory_space<vmem>> -> memref<128xi32, #tpu.memory_space<vmem>>
      %dma_wait3A_249 = arith.constant 0 : i32
      %dma_wait3A_250 = arith.constant 0 : i32
      %dma_wait3A_251 = tpu.memref_slice %arg3[%dma_wait3A_249, %dma_wait3A_250] : memref<875000x8xf32, #tpu.memory_space<hbm>> -> memref<875000x8xf32, #tpu.memory_space<hbm>>
      tpu.wait_indirect_dma semaphore(%arg14 : memref<!tpu.dma_semaphore, #tpu.memory_space<semaphore_mem>>) src(%dma_wait3A_251 : memref<875000x8xf32, #tpu.memory_space<hbm>>) dst(%dma_wait3A_245 : memref<128x8xf32, #tpu.memory_space<vmem>>)
      %dma_wait3A_252 = arith.constant 1 : i32
      %dma_wait3A_253 = arith.constant 1 : i32
      %dma_wait3A_254 = arith.constant 0 : i32
      %dma_wait3A_255 = arith.constant 0 : i32
      %dma_wait3A_256 = tpu.memref_slice %arg11[%dma_wait3A_253, %dma_wait3A_254, %dma_wait3A_255] : memref<5x128x8xf32, #tpu.memory_space<vmem>> -> memref<1x128x8xf32, #tpu.memory_space<vmem>>
      %dma_wait3A_257 = tpu.memref_squeeze %dma_wait3A_256 : memref<1x128x8xf32, #tpu.memory_space<vmem>> -> memref<128x8xf32, #tpu.memory_space<vmem>>
      %dma_wait3A_258 = arith.constant 0 : i32
      %dma_wait3A_259 = tpu.memref_slice %arg9[%dma_wait3A_252, %dma_wait3A_258] : memref<5x128xi32, #tpu.memory_space<vmem>> -> memref<1x128xi32, #tpu.memory_space<vmem>>
      %dma_wait3A_260 = tpu.memref_squeeze %dma_wait3A_259 : memref<1x128xi32, #tpu.memory_space<vmem>> -> memref<128xi32, #tpu.memory_space<vmem>>
      %dma_wait3A_261 = arith.constant 0 : i32
      %dma_wait3A_262 = arith.constant 0 : i32
      %dma_wait3A_263 = tpu.memref_slice %arg3[%dma_wait3A_261, %dma_wait3A_262] : memref<875000x8xf32, #tpu.memory_space<hbm>> -> memref<875000x8xf32, #tpu.memory_space<hbm>>
      tpu.wait_indirect_dma semaphore(%arg14 : memref<!tpu.dma_semaphore, #tpu.memory_space<semaphore_mem>>) src(%dma_wait3A_263 : memref<875000x8xf32, #tpu.memory_space<hbm>>) dst(%dma_wait3A_257 : memref<128x8xf32, #tpu.memory_space<vmem>>)
      %dma_wait3A_264 = arith.constant 2 : i32
      %dma_wait3A_265 = arith.constant 2 : i32
      %dma_wait3A_266 = arith.constant 0 : i32
      %dma_wait3A_267 = arith.constant 0 : i32
      %dma_wait3A_268 = tpu.memref_slice %arg11[%dma_wait3A_265, %dma_wait3A_266, %dma_wait3A_267] : memref<5x128x8xf32, #tpu.memory_space<vmem>> -> memref<1x128x8xf32, #tpu.memory_space<vmem>>
      %dma_wait3A_269 = tpu.memref_squeeze %dma_wait3A_268 : memref<1x128x8xf32, #tpu.memory_space<vmem>> -> memref<128x8xf32, #tpu.memory_space<vmem>>
      %dma_wait3A_270 = arith.constant 0 : i32
      %dma_wait3A_271 = tpu.memref_slice %arg9[%dma_wait3A_264, %dma_wait3A_270] : memref<5x128xi32, #tpu.memory_space<vmem>> -> memref<1x128xi32, #tpu.memory_space<vmem>>
      %dma_wait3A_272 = tpu.memref_squeeze %dma_wait3A_271 : memref<1x128xi32, #tpu.memory_space<vmem>> -> memref<128xi32, #tpu.memory_space<vmem>>
      %dma_wait3A_273 = arith.constant 0 : i32
      %dma_wait3A_274 = arith.constant 0 : i32
      %dma_wait3A_275 = tpu.memref_slice %arg3[%dma_wait3A_273, %dma_wait3A_274] : memref<875000x8xf32, #tpu.memory_space<hbm>> -> memref<875000x8xf32, #tpu.memory_space<hbm>>
      tpu.wait_indirect_dma semaphore(%arg14 : memref<!tpu.dma_semaphore, #tpu.memory_space<semaphore_mem>>) src(%dma_wait3A_275 : memref<875000x8xf32, #tpu.memory_space<hbm>>) dst(%dma_wait3A_269 : memref<128x8xf32, #tpu.memory_space<vmem>>)
      %dma_wait3A_276 = arith.constant 3 : i32
      %dma_wait3A_277 = arith.constant 3 : i32
      %dma_wait3A_278 = arith.constant 0 : i32
      %dma_wait3A_279 = arith.constant 0 : i32
      %dma_wait3A_280 = tpu.memref_slice %arg11[%dma_wait3A_277, %dma_wait3A_278, %dma_wait3A_279] : memref<5x128x8xf32, #tpu.memory_space<vmem>> -> memref<1x128x8xf32, #tpu.memory_space<vmem>>
      %dma_wait3A_281 = tpu.memref_squeeze %dma_wait3A_280 : memref<1x128x8xf32, #tpu.memory_space<vmem>> -> memref<128x8xf32, #tpu.memory_space<vmem>>
      %dma_wait3A_282 = arith.constant 0 : i32
      %dma_wait3A_283 = tpu.memref_slice %arg9[%dma_wait3A_276, %dma_wait3A_282] : memref<5x128xi32, #tpu.memory_space<vmem>> -> memref<1x128xi32, #tpu.memory_space<vmem>>
      %dma_wait3A_284 = tpu.memref_squeeze %dma_wait3A_283 : memref<1x128xi32, #tpu.memory_space<vmem>> -> memref<128xi32, #tpu.memory_space<vmem>>
      %dma_wait3A_285 = arith.constant 0 : i32
      %dma_wait3A_286 = arith.constant 0 : i32
      %dma_wait3A_287 = tpu.memref_slice %arg3[%dma_wait3A_285, %dma_wait3A_286] : memref<875000x8xf32, #tpu.memory_space<hbm>> -> memref<875000x8xf32, #tpu.memory_space<hbm>>
      tpu.wait_indirect_dma semaphore(%arg14 : memref<!tpu.dma_semaphore, #tpu.memory_space<semaphore_mem>>) src(%dma_wait3A_287 : memref<875000x8xf32, #tpu.memory_space<hbm>>) dst(%dma_wait3A_281 : memref<128x8xf32, #tpu.memory_space<vmem>>)
      %dma_wait3A_288 = arith.constant 4 : i32
      %dma_wait3A_289 = arith.constant 4 : i32
      %dma_wait3A_290 = arith.constant 0 : i32
      %dma_wait3A_291 = arith.constant 0 : i32
      %dma_wait3A_292 = tpu.memref_slice %arg11[%dma_wait3A_289, %dma_wait3A_290, %dma_wait3A_291] : memref<5x128x8xf32, #tpu.memory_space<vmem>> -> memref<1x128x8xf32, #tpu.memory_space<vmem>>
      %dma_wait3A_293 = tpu.memref_squeeze %dma_wait3A_292 : memref<1x128x8xf32, #tpu.memory_space<vmem>> -> memref<128x8xf32, #tpu.memory_space<vmem>>
      %dma_wait3A_294 = arith.constant 0 : i32
      %dma_wait3A_295 = tpu.memref_slice %arg9[%dma_wait3A_288, %dma_wait3A_294] : memref<5x128xi32, #tpu.memory_space<vmem>> -> memref<1x128xi32, #tpu.memory_space<vmem>>
      %dma_wait3A_296 = tpu.memref_squeeze %dma_wait3A_295 : memref<1x128xi32, #tpu.memory_space<vmem>> -> memref<128xi32, #tpu.memory_space<vmem>>
      %dma_wait3A_297 = arith.constant 0 : i32
      %dma_wait3A_298 = arith.constant 0 : i32
      %dma_wait3A_299 = tpu.memref_slice %arg3[%dma_wait3A_297, %dma_wait3A_298] : memref<875000x8xf32, #tpu.memory_space<hbm>> -> memref<875000x8xf32, #tpu.memory_space<hbm>>
      tpu.wait_indirect_dma semaphore(%arg14 : memref<!tpu.dma_semaphore, #tpu.memory_space<semaphore_mem>>) src(%dma_wait3A_299 : memref<875000x8xf32, #tpu.memory_space<hbm>>) dst(%dma_wait3A_293 : memref<128x8xf32, #tpu.memory_space<vmem>>)
      %scan3A_300 = arith.constant 0 : i32
      %scan3A_301 = arith.constant 0 : i32
      %scan3A_302 = arith.constant 8 : i32
      %scan3A_303 = arith.addi %scan3A_301, %scan3A_302 : i32
      %scan3A_304 = arith.constant 1 : i32
      scf.for %scan3A_315 = %scan3A_301 to %scan3A_303 step %scan3A_304  : i32 {
        %iota3A = tpu.iota {dimensions = array<i32: 0>} : vector<16xi32>
        %mul3A_316 = arith.constant 16 : i32
        %mul3A_317 = arith.muli %scan3A_315, %mul3A_316 : i32
        %add3A_318 = vector.broadcast %mul3A_317 : i32 to vector<16xi32>
        %add3A_319 = arith.addi %iota3A, %add3A_318 : vector<16xi32>
        %mul3A_320 = arith.constant 16 : i32
        %mul3A_321 = arith.muli %scan3A_315, %mul3A_320 : i32
        %get3A = arith.index_cast %mul3A_321 : i32 to index
        %get3A_322 = tpu.vector_load %arg10[%get3A] {strides = array<i32>} : memref<128xi32, #tpu.memory_space<vmem>>, vector<16xi32>,
        %broadcast_in_dim3A = arith.constant 0 : i32
        %broadcast_in_dim3A_323 = vector.broadcast %broadcast_in_dim3A : i32 to vector<16xi32>
        %add3A_324 = arith.constant 0 : i32
        %add3A_325 = vector.broadcast %add3A_324 : i32 to vector<16xi32>
        %add3A_326 = arith.addi %broadcast_in_dim3A_323, %add3A_325 : vector<16xi32>
        %gather3A = tpu.vector_load_idx %arg11[%add3A_326, %add3A_319, %get3A_322] : memref<5x128x8xf32, #tpu.memory_space<vmem>>[vector<16xi32>, vector<16xi32>, vector<16xi32>], vector<16xf32>,
        %mul3A_327 = arith.constant 16 : i32
        %mul3A_328 = arith.muli %scan3A_315, %mul3A_327 : i32
        %swap3A = arith.constant 0 : i32
        %swap3A_329 = arith.index_cast %swap3A : i32 to index
        %swap3A_330 = arith.index_cast %mul3A_328 : i32 to index
        %swap3A_331 = tpu.vector_load %arg12[%swap3A_329, %swap3A_330] {strides = array<i32>} : memref<5x128xf32, #tpu.memory_space<vmem>>, vector<16xf32>,
        tpu.vector_store %arg12[%swap3A_329, %swap3A_330], %gather3A {strides = array<i32>} : memref<5x128xf32, #tpu.memory_space<vmem>>, vector<16xf32>,
        %broadcast_in_dim3A_332 = arith.constant 0 : i32
        %broadcast_in_dim3A_333 = vector.broadcast %broadcast_in_dim3A_332 : i32 to vector<16xi32>
        %add3A_334 = arith.constant 1 : i32
        %add3A_335 = vector.broadcast %add3A_334 : i32 to vector<16xi32>
        %add3A_336 = arith.addi %broadcast_in_dim3A_333, %add3A_335 : vector<16xi32>
        %gather3A_337 = tpu.vector_load_idx %arg11[%add3A_336, %add3A_319, %get3A_322] : memref<5x128x8xf32, #tpu.memory_space<vmem>>[vector<16xi32>, vector<16xi32>, vector<16xi32>], vector<16xf32>,
        %mul3A_338 = arith.constant 16 : i32
        %mul3A_339 = arith.muli %scan3A_315, %mul3A_338 : i32
        %swap3A_340 = arith.constant 1 : i32
        %swap3A_341 = arith.index_cast %swap3A_340 : i32 to index
        %swap3A_342 = arith.index_cast %mul3A_339 : i32 to index
        %swap3A_343 = tpu.vector_load %arg12[%swap3A_341, %swap3A_342] {strides = array<i32>} : memref<5x128xf32, #tpu.memory_space<vmem>>, vector<16xf32>,
        tpu.vector_store %arg12[%swap3A_341, %swap3A_342], %gather3A_337 {strides = array<i32>} : memref<5x128xf32, #tpu.memory_space<vmem>>, vector<16xf32>,
        %broadcast_in_dim3A_344 = arith.constant 0 : i32
        %broadcast_in_dim3A_345 = vector.broadcast %broadcast_in_dim3A_344 : i32 to vector<16xi32>
        %add3A_346 = arith.constant 2 : i32
        %add3A_347 = vector.broadcast %add3A_346 : i32 to vector<16xi32>
        %add3A_348 = arith.addi %broadcast_in_dim3A_345, %add3A_347 : vector<16xi32>
        %gather3A_349 = tpu.vector_load_idx %arg11[%add3A_348, %add3A_319, %get3A_322] : memref<5x128x8xf32, #tpu.memory_space<vmem>>[vector<16xi32>, vector<16xi32>, vector<16xi32>], vector<16xf32>,
        %mul3A_350 = arith.constant 16 : i32
        %mul3A_351 = arith.muli %scan3A_315, %mul3A_350 : i32
        %swap3A_352 = arith.constant 2 : i32
        %swap3A_353 = arith.index_cast %swap3A_352 : i32 to index
        %swap3A_354 = arith.index_cast %mul3A_351 : i32 to index
        %swap3A_355 = tpu.vector_load %arg12[%swap3A_353, %swap3A_354] {strides = array<i32>} : memref<5x128xf32, #tpu.memory_space<vmem>>, vector<16xf32>,
        tpu.vector_store %arg12[%swap3A_353, %swap3A_354], %gather3A_349 {strides = array<i32>} : memref<5x128xf32, #tpu.memory_space<vmem>>, vector<16xf32>,
        %broadcast_in_dim3A_356 = arith.constant 0 : i32
        %broadcast_in_dim3A_357 = vector.broadcast %broadcast_in_dim3A_356 : i32 to vector<16xi32>
        %add3A_358 = arith.constant 3 : i32
        %add3A_359 = vector.broadcast %add3A_358 : i32 to vector<16xi32>
        %add3A_360 = arith.addi %broadcast_in_dim3A_357, %add3A_359 : vector<16xi32>
        %gather3A_361 = tpu.vector_load_idx %arg11[%add3A_360, %add3A_319, %get3A_322] : memref<5x128x8xf32, #tpu.memory_space<vmem>>[vector<16xi32>, vector<16xi32>, vector<16xi32>], vector<16xf32>,
        %mul3A_362 = arith.constant 16 : i32
        %mul3A_363 = arith.muli %scan3A_315, %mul3A_362 : i32
        %swap3A_364 = arith.constant 3 : i32
        %swap3A_365 = arith.index_cast %swap3A_364 : i32 to index
        %swap3A_366 = arith.index_cast %mul3A_363 : i32 to index
        %swap3A_367 = tpu.vector_load %arg12[%swap3A_365, %swap3A_366] {strides = array<i32>} : memref<5x128xf32, #tpu.memory_space<vmem>>, vector<16xf32>,
        tpu.vector_store %arg12[%swap3A_365, %swap3A_366], %gather3A_361 {strides = array<i32>} : memref<5x128xf32, #tpu.memory_space<vmem>>, vector<16xf32>,
        %broadcast_in_dim3A_368 = arith.constant 0 : i32
        %broadcast_in_dim3A_369 = vector.broadcast %broadcast_in_dim3A_368 : i32 to vector<16xi32>
        %add3A_370 = arith.constant 4 : i32
        %add3A_371 = vector.broadcast %add3A_370 : i32 to vector<16xi32>
        %add3A_372 = arith.addi %broadcast_in_dim3A_369, %add3A_371 : vector<16xi32>
        %gather3A_373 = tpu.vector_load_idx %arg11[%add3A_372, %add3A_319, %get3A_322] : memref<5x128x8xf32, #tpu.memory_space<vmem>>[vector<16xi32>, vector<16xi32>, vector<16xi32>], vector<16xf32>,
        %mul3A_374 = arith.constant 16 : i32
        %mul3A_375 = arith.muli %scan3A_315, %mul3A_374 : i32
        %swap3A_376 = arith.constant 4 : i32
        %swap3A_377 = arith.index_cast %swap3A_376 : i32 to index
        %swap3A_378 = arith.index_cast %mul3A_375 : i32 to index
        %swap3A_379 = tpu.vector_load %arg12[%swap3A_377, %swap3A_378] {strides = array<i32>} : memref<5x128xf32, #tpu.memory_space<vmem>>, vector<16xf32>,
        tpu.vector_store %arg12[%swap3A_377, %swap3A_378], %gather3A_373 {strides = array<i32>} : memref<5x128xf32, #tpu.memory_space<vmem>>, vector<16xf32>,
      }
      %scan3A_305 = arith.constant 8 : i32
      %shift_right_logical3A_306 = arith.constant 2 : i32
      %shift_right_logical3A_307 = arith.shrui %add3A_239, %shift_right_logical3A_306 : i32
      %and3A_308 = arith.constant 3 : i32
      %and3A_309 = arith.andi %add3A_239, %and3A_308 : i32
      %mul3A_310 = arith.constant 128 : i32
      %mul3A_311 = arith.muli %and3A_309, %mul3A_310 : i32
      %add3A_312 = arith.addi %mul3A_2, %mul3A_311 : i32
      %mul3A_313 = arith.constant 5 : i32
      %mul3A_314 = arith.muli %shift_right_logical3A_307, %mul3A_313 : i32
      "tpu.region"() ({
        %run_scoped3A = tpu.sem_alloc : memref<!tpu.dma_semaphore, #tpu.memory_space<semaphore_mem>>
        %dma_start3A_315 = tpu.memref_slice %arg4[%mul3A_314, %add3A_312] : memref<70x16384xf32, #tpu.memory_space<hbm>> -> memref<5x128xf32, #tpu.memory_space<hbm>>
        %dma_start3A_316 = tpu.memref_slice %arg4[%mul3A_314, %add3A_312] : memref<70x16384xf32, #tpu.memory_space<hbm>> -> memref<5x128xf32, #tpu.memory_space<hbm>>
        tpu.enqueue_dma source(%arg12 : memref<5x128xf32, #tpu.memory_space<vmem>>) target(%dma_start3A_316 : memref<5x128xf32, #tpu.memory_space<hbm>>) target_semaphore(%run_scoped3A : memref<!tpu.dma_semaphore, #tpu.memory_space<semaphore_mem>>)
        %dma_wait3A_317 = tpu.memref_slice %arg4[%mul3A_314, %add3A_312] : memref<70x16384xf32, #tpu.memory_space<hbm>> -> memref<5x128xf32, #tpu.memory_space<hbm>>
        %dma_wait3A_318 = tpu.memref_slice %arg4[%mul3A_314, %add3A_312] : memref<70x16384xf32, #tpu.memory_space<hbm>> -> memref<5x128xf32, #tpu.memory_space<hbm>>
        tpu.wait_dma2 semaphore(%run_scoped3A : memref<!tpu.dma_semaphore, #tpu.memory_space<semaphore_mem>>) src(%arg12 : memref<5x128xf32, #tpu.memory_space<vmem>>) dst(%dma_wait3A_318 : memref<5x128xf32, #tpu.memory_space<hbm>>)
        tpu.yield
      }) : () -> ()
    }
    %scan3A_82 = arith.constant 28 : i32
    return
  }
}

module attributes {stable_mosaic.version = 14 : i64} {
  func.func @_mlp_body(%arg0: i32, %arg1: memref<1x2048x16xf32, #tpu.memory_space<vmem>>, %arg2: memref<70x2048xf32, #tpu.memory_space<vmem>>, %arg3: memref<72x20xf32, #tpu.memory_space<vmem>>, %arg4: memref<20xf32, #tpu.memory_space<vmem>>, %arg5: memref<20x10xf32, #tpu.memory_space<vmem>>, %arg6: memref<10xf32, #tpu.memory_space<vmem>>, %arg7: memref<10x1xf32, #tpu.memory_space<vmem>>, %arg8: memref<1xf32, #tpu.memory_space<vmem>>, %arg9: memref<2048x1xf32, #tpu.memory_space<vmem>>) attributes {dimension_semantics = [#tpu.dimension_semantics<arbitrary>], iteration_bounds = array<i64: 8>, scalar_prefetch = 0 : i64, scratch_operands = 0 : i64, tpu.core_type = #tpu.core_type<tc>, window_params = [{transform_indices = @transform_0, window_bounds = array<i64: 1, 2048, 16>}, {transform_indices = @transform_1, window_bounds = array<i64: 70, 2048>}, {pipeline_mode = #tpu.pipeline_mode<synchronous>, transform_indices = @transform_2, window_bounds = array<i64: 72, 20>}, {pipeline_mode = #tpu.pipeline_mode<synchronous>, transform_indices = @transform_3, window_bounds = array<i64: 20>}, {pipeline_mode = #tpu.pipeline_mode<synchronous>, transform_indices = @transform_4, window_bounds = array<i64: 20, 10>}, {pipeline_mode = #tpu.pipeline_mode<synchronous>, transform_indices = @transform_5, window_bounds = array<i64: 10>}, {pipeline_mode = #tpu.pipeline_mode<synchronous>, transform_indices = @transform_6, window_bounds = array<i64: 10, 1>}, {pipeline_mode = #tpu.pipeline_mode<synchronous>, transform_indices = @transform_7, window_bounds = array<i64: 1>}, {transform_indices = @transform_8, window_bounds = array<i64: 2048, 1>}]} {
    %get3A = arith.constant 0 : index
    %get3A_0 = arith.constant 0 : index
    %get3A_1 = arith.constant 0 : index
    %get3A_2 = vector.load %arg1[%get3A, %get3A_0, %get3A_1] : memref<1x2048x16xf32, #tpu.memory_space<vmem>>, vector<1x2048x16xf32>
    %get3A_3 = vector.shape_cast %get3A_2 : vector<1x2048x16xf32> to vector<2048x16xf32>
    %slice3A = vector.extract_strided_slice %get3A_3 {offsets = [0, 0], sizes = [2048, 2], strides = [1, 1]} : vector<2048x16xf32> to vector<2048x2xf32>
    %get3A_4 = arith.constant 0 : index
    %get3A_5 = arith.constant 0 : index
    %get3A_6 = vector.load %arg3[%get3A_4, %get3A_5] : memref<72x20xf32, #tpu.memory_space<vmem>>, vector<2x20xf32>
    %dot_general3A = arith.constant dense<0.000000e+00> : vector<2048x20xf32>
    %dot_general3A_7 = tpu.matmul %slice3A, %get3A_6, %dot_general3A {dimension_numbers = #tpu.dot_dimension_numbers<[1], [0], [0], [1], [0, 0, 1, 1], [], []>, transpose_lhs_hint = false} : vector<2048x2xf32>, vector<2x20xf32>, vector<2048x20xf32> -> vector<2048x20xf32>
    %get3A_8 = arith.constant 0 : index
    %get3A_9 = arith.constant 0 : index
    %get3A_10 = vector.load %arg2[%get3A_8, %get3A_9] : memref<70x2048xf32, #tpu.memory_space<vmem>>, vector<70x2048xf32>
    %get3A_11 = arith.constant 2 : index
    %get3A_12 = arith.constant 0 : index
    %get3A_13 = vector.load %arg3[%get3A_11, %get3A_12] : memref<72x20xf32, #tpu.memory_space<vmem>>, vector<70x20xf32>
    %dot_general3A_14 = arith.constant dense<0.000000e+00> : vector<2048x20xf32>
    %dot_general3A_15 = tpu.matmul %get3A_10, %get3A_13, %dot_general3A_14 {dimension_numbers = #tpu.dot_dimension_numbers<[0], [0], [1], [1], [0, 1, 1, 1], [], []>, transpose_lhs_hint = false} : vector<70x2048xf32>, vector<70x20xf32>, vector<2048x20xf32> -> vector<2048x20xf32>
    %add3A = arith.addf %dot_general3A_7, %dot_general3A_15 : vector<2048x20xf32>
    %get3A_16 = arith.constant 0 : index
    %get3A_17 = vector.load %arg4[%get3A_16] : memref<20xf32, #tpu.memory_space<vmem>>, vector<20xf32>
    %broadcast_in_dim3A = vector.shape_cast %get3A_17 : vector<20xf32> to vector<1x20xf32>
    %add3A_18 = vector.broadcast %broadcast_in_dim3A : vector<1x20xf32> to vector<2048x20xf32>
    %add3A_19 = arith.addf %add3A, %add3A_18 : vector<2048x20xf32>
    %max3A = arith.constant 0.000000e+00 : f32
    %max3A_20 = vector.broadcast %max3A : f32 to vector<2048x20xf32>
    %max3A_21 = arith.maximumf %add3A_19, %max3A_20 : vector<2048x20xf32>
    %get3A_22 = arith.constant 0 : index
    %get3A_23 = arith.constant 0 : index
    %get3A_24 = vector.load %arg5[%get3A_22, %get3A_23] : memref<20x10xf32, #tpu.memory_space<vmem>>, vector<20x10xf32>
    %dot_general3A_25 = arith.constant dense<0.000000e+00> : vector<2048x10xf32>
    %dot_general3A_26 = tpu.matmul %max3A_21, %get3A_24, %dot_general3A_25 {dimension_numbers = #tpu.dot_dimension_numbers<[1], [0], [0], [1], [0, 0, 1, 1], [], []>, transpose_lhs_hint = false} : vector<2048x20xf32>, vector<20x10xf32>, vector<2048x10xf32> -> vector<2048x10xf32>
    %get3A_27 = arith.constant 0 : index
    %get3A_28 = vector.load %arg6[%get3A_27] : memref<10xf32, #tpu.memory_space<vmem>>, vector<10xf32>
    %broadcast_in_dim3A_29 = vector.shape_cast %get3A_28 : vector<10xf32> to vector<1x10xf32>
    %add3A_30 = vector.broadcast %broadcast_in_dim3A_29 : vector<1x10xf32> to vector<2048x10xf32>
    %add3A_31 = arith.addf %dot_general3A_26, %add3A_30 : vector<2048x10xf32>
    %max3A_32 = arith.constant 0.000000e+00 : f32
    %max3A_33 = vector.broadcast %max3A_32 : f32 to vector<2048x10xf32>
    %max3A_34 = arith.maximumf %add3A_31, %max3A_33 : vector<2048x10xf32>
    %get3A_35 = arith.constant 0 : index
    %get3A_36 = arith.constant 0 : index
    %get3A_37 = vector.load %arg7[%get3A_35, %get3A_36] : memref<10x1xf32, #tpu.memory_space<vmem>>, vector<10x1xf32>
    %dot_general3A_38 = arith.constant dense<0.000000e+00> : vector<2048x1xf32>
    %dot_general3A_39 = tpu.matmul %max3A_34, %get3A_37, %dot_general3A_38 {dimension_numbers = #tpu.dot_dimension_numbers<[1], [0], [0], [1], [0, 0, 1, 1], [], []>, transpose_lhs_hint = false} : vector<2048x10xf32>, vector<10x1xf32>, vector<2048x1xf32> -> vector<2048x1xf32>
    %get3A_40 = arith.constant 0 : index
    %get3A_41 = vector.load %arg8[%get3A_40] : memref<1xf32, #tpu.memory_space<vmem>>, vector<1xf32>
    %broadcast_in_dim3A_42 = vector.shape_cast %get3A_41 : vector<1xf32> to vector<1x1xf32>
    %add3A_43 = vector.broadcast %broadcast_in_dim3A_42 : vector<1x1xf32> to vector<2048x1xf32>
    %add3A_44 = arith.addf %dot_general3A_39, %add3A_43 : vector<2048x1xf32>
    %logistic3A = arith.negf %add3A_44 : vector<2048x1xf32>
    %logistic3A_45 = math.exp %logistic3A : vector<2048x1xf32>
    %logistic3A_46 = arith.constant 1.000000e+00 : f32
    %logistic3A_47 = vector.broadcast %logistic3A_46 : f32 to vector<2048x1xf32>
    %logistic3A_48 = arith.addf %logistic3A_47, %logistic3A_45 : vector<2048x1xf32>
    %logistic3A_49 = arith.divf %logistic3A_47, %logistic3A_48 : vector<2048x1xf32>
    %swap3A = arith.constant 0 : index
    %swap3A_50 = arith.constant 0 : index
    %swap3A_51 = vector.load %arg9[%swap3A, %swap3A_50] : memref<2048x1xf32, #tpu.memory_space<vmem>>, vector<2048x1xf32>
    tpu.vector_store %arg9[%swap3A, %swap3A_50], %logistic3A_49 {strides = array<i32>} : memref<2048x1xf32, #tpu.memory_space<vmem>>, vector<2048x1xf32>,
    return
  }
  func.func @transform_0(%arg0: i32) -> (i32, i32, i32) {
    %c0_i32 = arith.constant 0 : i32
    %c0_i32_0 = arith.constant 0 : i32
    %c0_i32_1 = arith.constant 0 : i32
    return %c0_i32, %arg0, %c0_i32_0 : i32, i32, i32
  }
  func.func @transform_1(%arg0: i32) -> (i32, i32) {
    %c0_i32 = arith.constant 0 : i32
    %c0_i32_0 = arith.constant 0 : i32
    return %c0_i32, %arg0 : i32, i32
  }
  func.func @transform_2(%arg0: i32) -> (i32, i32) {
    %c0_i32 = arith.constant 0 : i32
    %c0_i32_0 = arith.constant 0 : i32
    %c0_i32_1 = arith.constant 0 : i32
    return %c0_i32, %c0_i32_0 : i32, i32
  }
  func.func @transform_3(%arg0: i32) -> i32 {
    %c0_i32 = arith.constant 0 : i32
    %c0_i32_0 = arith.constant 0 : i32
    return %c0_i32 : i32
  }
  func.func @transform_4(%arg0: i32) -> (i32, i32) {
    %c0_i32 = arith.constant 0 : i32
    %c0_i32_0 = arith.constant 0 : i32
    %c0_i32_1 = arith.constant 0 : i32
    return %c0_i32, %c0_i32_0 : i32, i32
  }
  func.func @transform_5(%arg0: i32) -> i32 {
    %c0_i32 = arith.constant 0 : i32
    %c0_i32_0 = arith.constant 0 : i32
    return %c0_i32 : i32
  }
  func.func @transform_6(%arg0: i32) -> (i32, i32) {
    %c0_i32 = arith.constant 0 : i32
    %c0_i32_0 = arith.constant 0 : i32
    %c0_i32_1 = arith.constant 0 : i32
    return %c0_i32, %c0_i32_0 : i32, i32
  }
  func.func @transform_7(%arg0: i32) -> i32 {
    %c0_i32 = arith.constant 0 : i32
    %c0_i32_0 = arith.constant 0 : i32
    return %c0_i32 : i32
  }
  func.func @transform_8(%arg0: i32) -> (i32, i32) {
    %c0_i32 = arith.constant 0 : i32
    %c0_i32_0 = arith.constant 0 : i32
    return %arg0, %c0_i32 : i32, i32
  }
}

</mosaic_0001>

<sc_bundles>
// kernel: kernel.4.cloned.1.call-start
scs
__scs_entry_jumppad:
0x0: {  	(pc) =	sbr.rel $0x88, $3  }
0x1: {  	(tag) =	ssettag $0x0;
	lr =	simm.s32 $0x1  }
0x2: {  	[smem:$0x3F99] =	sst lr;
	_ =	strace $0xD0000000  }
0x3: {  	_ = 	snop  }
0x4: {  	_ = 	snop  }
0x5: {  	_ = 	snop  }
0x6: {  	_ = 	snop  }
0x7: {  	_ = 	snop  }
__scs_overlays_trampoline_lowered:
0x8: {  	[smem:$0x3FA8] =	sst s0  }
0x9: {  	[smem:$0x3FA9] =	sst s1  }
0xa: {  	[smem:$0x3FAA] =	sst s2  }
0xb: {  	[smem:$0x3FAB] =	sst s3  }
0xc: {  	[smem:$0x3FAC] =	sst s4  }
0xd: {  	[smem:$0x3FAD] =	sst s5  }
0xe: {  	[smem:$0x3FAE] =	sst s6  }
0xf: {  	[smem:$0x3FAF] =	sst s7  }
0x10: {  	[smem:$0x3FB0] =	sst s8  }
0x11: {  	[smem:$0x3FB1] =	sst s9;
	s0 =	simm.s32 @!p0 $0x0  }
0x12: {  	s1 =	sld [smem:$0x3F97];
	s0 =	simm.s32 @p0 $0x1  }
0x13: {  	[smem:$0x3FB2] =	sst s0;
	s0 =	simm.s32 @!p1 $0x0  }
0x14: {  	s2 =	sld [smem:$0x3F96];
	s0 =	simm.s32 @p1 $0x1  }
0x15: {  	[smem:$0x3FB3] =	sst s0;
	s0 =	simm.s32 @!p2 $0x0  }
0x16: {  	s3 =	sld [smem:$0x3FDB];
	s0 =	simm.s32 @p2 $0x1  }
0x17: {  	s4 =	simm.s32 $0x1BF5;
	[smem:$0x3FB5] =	sst s0  }
0x18: {  	s0 =	sld [smem:$0x3F98];
	_ =	swait.ge [sflag:s4], $0x0  }
0x19: {  	s7 =	sld [smem:$0x3F99]  }
0x1a: {  	s8 =	sadd.s32 $0xFFFFE003, lr  }
0x1b: {  	s9 =	sadd.s32 $0xFFFFFEF7, lr;
	s5 =	simm.s32 $0xFFFFFFFF;
	p2 =	slt.u32 s8, $0xFFFFF086  }
0x1c: {  	p1 =	slt.u32 s9, $0xF7A;
	s5 =	simm.s32 @!p2 $0x0  }
0x1d: {  	s5 =	simm.s32 @p1 $0x1;
	p0 =	seq.s32 s7, s2  }
0x1e: {  	s7 =	smul.u32 @!p0 $0xF7A, s2;
	p2 =	seq.s32 @!p0 s5, $0x0  }
0x1f: {  	s9 =	smul.u32 $0xF7A, s1;
	s8 =	simm.s32 @!p0 $0x1BF5;
	p2 =	por !p2, p0  }
0x20: {  	[sflag:s8] =	ssyncset.s32 @!p0 $0xFFFFF086;
	s6 =	sadd.s32 @!p0 s3, s7;
	s7 =	simm.s32 @!p0 $0x108  }
0x21: {  	s3 =	sadd.s32 s3, s9;
	s6 =	sadd.s32 @!p0 $0x88, s6;
	s7 =	simm.s32 @p2 $0x1082  }
0x22: {  	[simem:s7], [sflag:s8] =	dma.local @!p0 [hbm:s6], $0xF7A  }
0x23: {  	s9 =	sor.u32 $0xD0000000, s2;
	s6 =	simm.s32 $0x108;
	_ =	swait.ge @!p0 [sflag:s8], $0x0  }
0x24: {  	s3 =	sadd.s32 $0x88, s3;
	s6 =	simm.s32 @!p1 $0x1082;
	[sflag:s4] =	ssyncset.s32 $0xFFFFF086  }
0x25: {  	[simem:s6], [sflag:s4] =	dma.local [hbm:s3], $0xF7A  }
0x26: {  	[smem:$0x3F99] =	sst s1;
	(tag) =	ssettag s2;
	_ =	strace s9  }
0x27: {  	s1 =	sld [smem:$0x3FA9]  }
0x28: {  	s2 =	sld [smem:$0x3FAA]  }
0x29: {  	s4 =	sld [smem:$0x3FAC]  }
0x2a: {  	p0 =	seq.s32 s5, $0x0;
	s5 =	sld [smem:$0x3FAD]  }
0x2b: {  	s6 =	sld [smem:$0x3FAE]  }
0x2c: {  	s7 =	sld [smem:$0x3FAF]  }
0x2d: {  	s3 =	simm.s32 $0x108;
	s8 =	sld [smem:$0x3FB0]  }
0x2e: {  	s3 =	simm.s32 @!p0 $0x1082;
	s9 =	sld [smem:$0x3FB1]  }
0x2f: {  	lr =	sadd.s32 s0, s3;
	s0 =	sld [smem:$0x3FA8]  }
0x30: {  	s3 =	sld [smem:$0x3FAB]  }
0x31: {  	[smem:$0x3FB4] =	sst s10  }
0x32: {  	s10 =	sld [smem:$0x3FB2];
	_ =	sdelay $0x3  }
0x33: {  	p0 =	seq.s32 s10, $0x1;
	s10 =	sld [smem:$0x3FB4];
	_ =	sdelay $0x3  }
0x34: {  	[smem:$0x3FB4] =	sst s10  }
0x35: {  	s10 =	sld [smem:$0x3FB3];
	_ =	sdelay $0x3  }
0x36: {  	p1 =	seq.s32 s10, $0x1;
	s10 =	sld [smem:$0x3FB4];
	_ =	sdelay $0x3  }
0x37: {  	[smem:$0x3FB4] =	sst s10  }
0x38: {  	s10 =	sld [smem:$0x3FB5]  }
0x39: {  	_ = 	snop;
	(pc) =	sbr.ind lr, $3  }
0x3a: {  	_ = 	snop  }
0x3b: {  	_ = 	snop  }
0x3c: {  	p2 =	seq.s32 s10, $0x1;
	s10 =	sld [smem:$0x3FB4]  }
0x3d: {  	_ =	shalt  }
0x3e: {  	_ =	shalt  }
0x3f: {  	_ =	shalt  }
0x40: {  	_ =	shalt  }
0x41: {  	_ =	shalt  }
0x42: {  	_ =	shalt  }
0x43: {  	_ =	shalt  }
0x44: {  	_ =	shalt  }
0x45: {  	_ =	shalt  }
0x46: {  	_ =	shalt  }
0x47: {  	_ =	shalt  }
0x48: {  	_ =	shalt  }
0x49: {  	_ =	shalt  }
0x4a: {  	_ =	shalt  }
0x4b: {  	_ =	shalt  }
0x4c: {  	_ =	shalt  }
0x4d: {  	_ =	shalt  }
0x4e: {  	_ =	shalt  }
0x4f: {  	_ =	shalt  }
0x50: {  	_ =	shalt  }
0x51: {  	_ =	shalt  }
0x52: {  	_ =	shalt  }
0x53: {  	_ =	shalt  }
0x54: {  	_ =	shalt  }
0x55: {  	_ =	shalt  }
0x56: {  	_ =	shalt  }
0x57: {  	_ =	shalt  }
0x58: {  	_ =	shalt  }
0x59: {  	_ =	shalt  }
0x5a: {  	_ =	shalt  }
0x5b: {  	_ =	shalt  }
0x5c: {  	_ =	shalt  }
0x5d: {  	_ =	shalt  }
0x5e: {  	_ =	shalt  }
0x5f: {  	_ =	shalt  }
0x60: {  	_ =	shalt  }
0x61: {  	_ =	shalt  }
0x62: {  	_ =	shalt  }
0x63: {  	_ =	shalt  }
0x64: {  	_ =	shalt  }
0x65: {  	_ =	shalt  }
0x66: {  	_ =	shalt  }
0x67: {  	_ =	shalt  }
0x68: {  	_ =	shalt  }
0x69: {  	_ =	shalt  }
0x6a: {  	_ =	shalt  }
0x6b: {  	_ =	shalt  }
0x6c: {  	_ =	shalt  }
0x6d: {  	_ =	shalt  }
0x6e: {  	_ =	shalt  }
0x6f: {  	_ =	shalt  }
0x70: {  	_ =	shalt  }
0x71: {  	_ =	shalt  }
0x72: {  	_ =	shalt  }
0x73: {  	_ =	shalt  }
0x74: {  	_ =	shalt  }
0x75: {  	_ =	shalt  }
0x76: {  	_ =	shalt  }
0x77: {  	_ =	shalt  }
0x78: {  	_ =	shalt  }
0x79: {  	_ =	shalt  }
0x7a: {  	_ =	shalt  }
0x7b: {  	_ =	shalt  }
0x7c: {  	_ =	shalt  }
0x7d: {  	_ =	shalt  }
0x7e: {  	_ =	shalt  }
0x7f: {  	_ =	shalt  }
0x80: {  	_ =	shalt  }
0x81: {  	_ =	shalt  }
0x82: {  	_ =	shalt  }
0x83: {  	_ =	shalt  }
0x84: {  	_ =	shalt  }
0x85: {  	_ =	shalt  }
0x86: {  	_ =	shalt  }
0x87: {  	_ =	shalt  }
.Lfunc_end0:
.L_simem_size_0:
called_computation_lowered:
.L_overlay_start_0:
0x88: {  	s2 =	sld [smem:$0x3FD9]  }
0x89: {  	s3 =	sld [smem:$0x3FFE];
	_ =	sdelay $0x1  }
0x8a: {  	s1 =	srdreg.scid  }
0x8b: {  	s0 =	sand.u32 $0x1, s1  }
0x8c: {  	s16 =	sshll.u32 s0, $0xA;
	s2 =	sadd.s32 s3, s2  }
0x8d: {  	s2 =	sadd.s32 s2, s16  }
0x8e: {  	[smem:$0x3FC0] =	sst s2  }
0x8f: {  	_ = 	snop  }
0x90: {  	(tm) =	ssettm $0x1  }
0x91: {  	s17 =	sld [smem:$0x3FFB];
	_ =	sdelay $0x3  }
0x92: {  	_ =	strace s17  }
0x93: {  	s2 =	sld [smem:$0x3FFC];
	_ =	sdelay $0x3  }
0x94: {  	_ =	strace s2  }
0x95: {  	s2 =	sld [smem:$0x3FFD];
	_ =	sdelay $0x3  }
0x96: {  	_ =	strace s2  }
0x97: {  	_ =	strace $0x8FFFFFFF  }
0x98: {  	s18 =	sld [smem:$0x3FDB];
	_ =	sdelay $0x1  }
0x99: {  	s19 =	simm.s32 $_scs_section_size  }
0x9a: {  	s4 =	simm.s32 $_size__tile_overlayer_lowered;
	s5 =	simm.s32 $_tile_overlayer_lowered  }
0x9b: {  	s22 =	simm.s32 $0x1BFF;
	s21 =	sshll.u32 s5, $0x1;
	s2 =	sadd.s32 s19, s18  }
0x9c: {  	s6 =	simm.s32 $0x0;
	s20 =	sshll.u32 s4, $0x1;
	s4 =	sadd.s32 s21, s2  }
0x9d: {  	[timem:s6], [sflag:s22] =	dma.local [hbm:s4], s20  }
0x9e: {  	_ =	swait.ge [sflag:s22], s20  }
0x9f: {  	s3 =	ssub.s32 $0x0, s20;
	[sflag:s22] =	ssyncset.done $0x0  }
0xa0: {  	[sflag:s22] =	ssyncadd.s32 s3;
	_ =	sdelay $0x1  }
0xa1: {  	s23 =	simm.s32 $0x1B8B  }
0xa2: {  	_ =	swait.ge [sflag:s23], $0x1  }
0xa3: {  	[sflag:s23] =	ssyncset.done $0x0  }
0xa4: {  	s25 =	simm.s32 $0x1B8E;
	s24 =	sld [smem:$0x3FFE];
	[sflag:s23] =	ssyncadd.s32 $0xFFFFFFFF  }
0xa5: {  	s26 =	simm.s32 $execute0_lowered;
	[smem:$0x3FD2] =	sst s25  }
0xa6: {  	s4 =	sshll.u32 s26, $0x1;
	_ =	strace $0x80000046;
	[dreg:$0x1] =	wrdreg $0xFFFFFFFF  }
0xa7: {  	s28 =	simm.s32 $_size_execute0_lowered;
	s2 =	sadd.s32 s2, s4;
	[dreg:$0x0] =	wrdreg $0x0  }
0xa8: {  	s4 =	sshll.u32 s28, $0x1;
	[dreg:$0x2] =	wrdreg s2  }
0xa9: {  	[dreg:$0x3] =	wrdreg s4  }
0xaa: {  	[dreg:$0x4] =	wrdreg $0xC0  }
0xab: {  	_ =	task [dreg:s6], $0x5FFFF  }
0xac: {  	[dreg:$0x1] =	wrdreg $0xFFFFFFFF  }
0xad: {  	[dreg:$0x0] =	wrdreg $0x60  }
0xae: {  	[dreg:$0x2] =	wrdreg s24  }
0xaf: {  	[dreg:$0x3] =	wrdreg $0x9  }
0xb0: {  	_ =	task.clear_ibuf [dreg:s6], $0x4FFFF;
	_ =	strace $0x90000046  }
0xb1: {  	s29 =	simm.s32 $0x9;
	_ =	strace $0x80000048  }
0xb2: {  	_ =	swait.ge [sflag:s29], $0x1  }
0xb3: {  	[sflag:s29] =	ssyncadd.s32 $0xFFFFFFFF  }
0xb4: {  	_ =	strace $0x90000048  }
0xb5: {  	_ =	sfence  }
0xb6: {  	s30 =	sld [smem:$0x0];
	_ =	sdelay $0x2  }
0xb7: {  	s31 =	sshll.u32 s1, $0xD;
	s1 =	sshrl.u32 s1, $0x2  }
0xb8: {  	s3 =	sand.u32 $0x4000, s31;
	s1 =	sadd.s32 s1, s30  }
0xb9: {  	s0 =	sor.u32 s3, s0;
	s1 =	sshll.u32 s1, $0x11  }
0xba: {  	s0 =	sor.u32 s1, s0  }
0xbb: {  	s0 =	sadd.s32 $0x8F2B, s0  }
0xbc: {  	[sflag:s0] =	ssyncadd.remote.s32 $0x1  }
0xbd: {  	_ =	sfence.sel $0xFFFF  }
0xbe: {  	[dreg:$0x0] =	wrdreg $0xFFFFFFFF;
	(pc) =	sbr.abs _section_cstart, $3  }
0xbf: {  	[dreg:$0x1] =	wrdreg $0xFFFFFFFF  }
0xc0: {  	_ =	task.clear_ibuf [dreg:s6], $0x2FFFF;
	_ =	strace $0x9FFFFFFF  }
0xc1: {  	(tm) =	ssettm $0x7FFFFFFF  }
tec
execute0_lowered:
.L_overlay_start_1:
0x0: {  	(tag) =	ssettag $0x1  }
0x1: {  	s0 =	srdreg.scid;
	s2 =	stileid.u32  }
0x2: {  	s1 =	rddreg [dreg:$0x0];
	s8 =	simm.s32 $0x3;
	s9 =	simm.s32 $0x80  }
0x3: {  	s11 =	simm.s32 $0x2300;
	s20 =	simm.s32 $0x1;
	s22 =	simm.s32 $0x3A00  }
0x4: {  	s23 =	simm.s32 $0x3780;
	s24 =	simm.s32 $0x3E00;
	s25 =	simm.s32 $0x3800  }
0x5: {  	s28 =	simm.s32 $0x3880;
	s29 =	simm.s32 $0x4600;
	s30 =	simm.s32 $0x3900  }
0x6: {  	s31 =	simm.s32 $0x4A00;
	s10 =	simm.s32 $0x0;
	s0 =	sand.u32 $0x1, s0  }
0x7: {  	s3 =	sshll.u32 s2, $0x1;
	s2 =	simm.s32 $0x0;
	s4 =	sadd.s32 $0xDEA00, s1  }
0x8: {  	s5 =	sor.u32 s0, s3;
	[smem:$0x7FF] =	sst s2;
	s0 =	ssub.s32 $0x2, s0  }
0x9: {  	s3 =	sshll.u32 s5, $0xA;
	_ =	strace $0x80000047;
	s7 =	sshrl.u32 s0, $0x1  }
0xa: {  	s5 =	sshll.u32 s5, $0x9;
	s6 =	sadd.s32 s3, s1;
	s3 =	sadd.s32 $0x1000, s1  }
0xb: {  	v1 =	vlaneseq.u32;
	s0 =	ssub.s32 s0, s7;
	s1 =	simm.s32 $0x4000;
	s26 =	sadd.s32 $0xD6A00, s6  }
0xc: {  	v0 =	vmul.u32 $0x10, v1;
	s0 =	smax.u32 s0, $0x1;
	s6 =	simm.s32 $0x2;
	[dreg:$0x2] =	wrdreg s26  }
0xd: {  	v1 =	vmul.u32 $0x8, v1;
	[dreg:$0x3] =	wrdreg s0;
	s26 =	simm.s32 $0x4200;
	s0 =	simm.s32 $0x4E00  }
.LBB2_1:
0xe: {  	v2 =	vmov s2  }
0xf: {  	v2 =	vshll.u32 v2, $0x4  }
0x10: {  	[dreg:$0x4] =	wrdreg s10;
	v2 =	vor.u32 v0, v2  }
0x11: {  	s7 =	rddreg [dreg:$0x2];
	v2 =	vor.u32 $0x2, v2  }
0x12: {  	[tilespmem:s2], [sflag:$0x3] =	stream.linear.gather [hbm4b:s7+s2], $0x2000, $0x38;
	[tilespmem:$0x5080] =	vst v63  }
0x13: {  	_ =	swait.ge [sflag:s8], $0x2000  }
0x14: {  	[sflag:s8] =	ssyncset.done $0x0  }
0x15: {  	[sflag:s8] =	ssyncadd.s32 $0xFFFFE000  }
0x16: {  	v2 =	vld.idx.msk [tilespmem:v2+s2+$0x0], $0xffff;
	_ =	sdelay $0x4  }
0x17: {  	s19 =	simm.s32 $0x10;
	v2 =	vtrunc.f32 v2  }
0x18: {  	v3 =	vmov s19;
	v2 =	vcvt.f32.s32 v2  }
0x19: {  	v3 =	vshll.u32 v3, $0x4  }
0x1a: {  	s21 =	simm.s32 $0x2100;
	v3 =	vor.u32 v0, v3;
	v4 =	vshrl.u32 v2, $0x3  }
0x1b: {  	s14 =	simm.s32 $0x20;
	s12 =	simm.s32 $0x2100;
	v3 =	vor.u32 $0x2, v3;
	v2 =	vand.u32 $0x7, v2;
	[tilespmem:s21+$0xFFFFFF00] =	vst v4;
	v7 =	vadd.s32 $0xAAE60, v4  }
0x1c: {  	s10 =	simm.s32 $0x2100;
	s13 =	simm.s32 $0x2280;
	s7 =	simm.s32 $0x2280;
	v6 =	vadd.s32 $0x2AB98, v4;
	v5 =	vadd.s32 $0x55730, v4;
	v4 =	vadd.s32 $0x802C8, v4;
	[tilespmem:s21+$0x100] =	vst v7  }
.LBB2_2:
0x1d: {  	s7 =	sadd.s32 $0x10, s7  }
0x1e: {  	[tilespmem:s12+$0xFFFFFF80] =	vst v6;
	s10 =	sadd.s32 $0x10, s10;
	s15 =	smov.u32 s14;
	s16 =	sadd.s32 $0x10, s14  }
0x1f: {  	p0 =	sne.s32 s14, $0x70;
	[tilespmem:s12+$0x0] =	vst v5  }
0x20: {  	[tilespmem:s12+$0x80] =	vst v4;
	s12 =	smov.u32 s10  }
0x21: {  	[tilespmem:s13+$0x0] =	vst v2;
	s13 =	smov.u32 s7  }
0x22: {  	v2 =	vld.idx.msk [tilespmem:v3+s2+$0x0], $0xffff;
	_ =	sdelay $0x5  }
0x23: {  	v2 =	vtrunc.f32 v2  }
.Ltmp0:
0x24: {  	v2 =	vcvt.f32.s32 v2;
	(pc) =	sbr.rel @p0 .LBB2_2-.Ltmp0, $4  }
0x25: {  	v3 =	vmov s15  }
0x26: {  	v3 =	vshll.u32 v3, $0x4;
	v4 =	vshrl.u32 v2, $0x3;
	v2 =	vand.u32 $0x7, v2  }
0x27: {  	v3 =	vor.u32 v0, v3;
	v6 =	vadd.s32 $0x2AB98, v4;
	v7 =	vadd.s32 $0xAAE60, v4;
	[tilespmem:s10+$0xFFFFFF00] =	vst v4  }
0x28: {  	s14 =	smov.u32 s16;
	v3 =	vor.u32 $0x2, v3;
	v5 =	vadd.s32 $0x55730, v4;
	v4 =	vadd.s32 $0x802C8, v4;
	[tilespmem:s10+$0x100] =	vst v7  }
0x29: {  	[tilespmem:s12+$0xFFFFFF80] =	vst v6  }
0x2a: {  	[tilespmem:s12+$0x0] =	vst v5  }
0x2b: {  	[tilespmem:s12+$0x80] =	vst v4  }
0x2c: {  	[tilespmem:s13+$0x0] =	vst v2  }
0x2d: {  	v2 =	vld.idx.msk [tilespmem:v3+s2+$0x0], $0xffff;
	_ =	sdelay $0x4  }
0x2e: {  	v2 =	vtrunc.f32 v2  }
0x2f: {  	v2 =	vcvt.f32.s32 v2;
	_ =	sdelay $0x1  }
0x30: {  	s10 =	sadd.s32 $0x10, s10;
	v3 =	vshrl.u32 v2, $0x3  }
0x31: {  	[tilespmem:s10+$0xFFFFFF00] =	vst v3;
	v61 =	vadd.s32 $0xAAE60, v3  }
0x32: {  	v62 =	vadd.s32 $0x2AB98, v3;
	[tilespmem:s10+$0x100] =	vst v61  }
0x33: {  	v63 =	vadd.s32 $0x55730, v3;
	[tilespmem:s10+$0xFFFFFF80] =	vst v62  }
0x34: {  	v3 =	vadd.s32 $0x802C8, v3;
	[tilespmem:s10+$0x0] =	vst v63  }
0x35: {  	s7 =	sadd.s32 $0x10, s7;
	v2 =	vand.u32 $0x7, v2;
	[tilespmem:s10+$0x80] =	vst v3  }
0x36: {  	s12 =	simm.s32 $0x2000;
	[tilespmem:s7+$0x0] =	vst v2  }
0x37: {  	[tilespmem:s11], [sflag:$0x1] =	stream.indirect.gather [hbm4b:s3+s9], $0x8, s12, s9, $0xb8;
	[tilespmem:$0x5080] =	vst v63  }
0x38: {  	s14 =	simm.s32 $0x2700;
	s13 =	simm.s32 $0x2080  }
0x39: {  	[tilespmem:s14], [sflag:$0x1] =	stream.indirect.gather [hbm4b:s3+s9], $0x8, s13, s9, $0xb8;
	[tilespmem:$0x5080] =	vst v63  }
0x3a: {  	s15 =	simm.s32 $0x2100;
	s16 =	simm.s32 $0x2B00;
	s17 =	simm.s32 $0x2180  }
0x3b: {  	[tilespmem:s16], [sflag:$0x1] =	stream.indirect.gather [hbm4b:s3+s9], $0x8, s15, s9, $0xb8;
	[tilespmem:$0x5080] =	vst v63  }
0x3c: {  	s18 =	simm.s32 $0x2F00;
	s19 =	simm.s32 $0x2200;
	s21 =	simm.s32 $0x3300  }
0x3d: {  	[tilespmem:s18], [sflag:$0x1] =	stream.indirect.gather [hbm4b:s3+s9], $0x8, s17, s9, $0xb8;
	[tilespmem:$0x5080] =	vst v63  }
0x3e: {  	p0 =	por $0x0, $0x0;
	p1 =	por $0x1, $0x1;
	s7 =	simm.s32 $0x0  }
0x3f: {  	[tilespmem:s21], [sflag:$0x1] =	stream.indirect.gather [hbm4b:s3+s9], $0x8, s19, s9, $0xb8;
	[tilespmem:$0x5080] =	vst v63  }
.LBB2_4:
0x40: {  	s10 =	simm.s32 $0x1  }
0x41: {  	s10 =	simm.s32 @!p0 $0x0  }
0x42: {  	s10 =	sshll.u32 s10, $0x8  }
0x43: {  	s10 =	sor.u32 $0x80, s10  }
0x44: {  	s13 =	sshrl.u32 s7, $0x1;
	v2 =	vmov s10  }
0x45: {  	s12 =	sadd.s32 $0x2, s13;
	v3 =	vshll.u32 v2, $0x4  }
0x46: {  	v2 =	vmov s12;
	v3 =	vor.u32 v0, v3  }
0x47: {  	v3 =	vadd.s32 v2, v3;
	_ =	sdelay $0x4  }
0x48: {  	v3 =	vld.idx.msk [tilespmem:v3+s2+$0x0], $0xffff;
	_ =	sdelay $0x3  }
0x49: {  	s14 =	sshll.u32 s7, $0x8;
	s15 =	sshll.u32 s7, $0x1;
	s19 =	simm.s32 $0x80  }
0x4a: {  	s17 =	smul.u32 $0x186A0, s13;
	s18 =	sadd.s32 $0x10, s10;
	s12 =	simm.s32 $0x1;
	v4 =	vtrunc.f32 v3  }
0x4b: {  	s16 =	sand.u32 $0x100, s14;
	s14 =	simm.s32 $0x0;
	v5 =	vmov s18;
	s12 =	simm.s32 @!p1 $0x0;
	v4 =	vcvt.f32.s32 v4  }
0x4c: {  	s10 =	sor.u32 $0x80, s16;
	v5 =	vshll.u32 v5, $0x4;
	s12 =	sshll.u32 s12, $0x8;
	v3 =	vmov s17;
	s17 =	simm.s32 $0x40  }
.LBB2_5:
0x4d: {  	p2 =	sne.s32 s19, $0x1C0;
	v5 =	vor.u32 v0, v5;
	v6 =	vadd.s32 v4, v3;
	s21 =	sshra.s32 s14, $0x2;
	v4 =	vand.u32 $0x7, v4;
	s14 =	smov.u32 s17  }
0x4e: {  	s17 =	smov.u32 s19;
	v5 =	vadd.s32 v2, v5;
	v6 =	vshrl.u32 v6, $0x3;
	[tilespmem:s21+$0x3980] =	vst v4  }
0x4f: {  	[tilespmem:s21+$0x3700] =	vst v6;
	v4 =	vadd.s32 $0x2AB98, v6;
	v7 =	vadd.s32 $0x55730, v6;
	v8 =	vadd.s32 $0x802C8, v6  }
0x50: {  	[tilespmem:s21+$0x3780] =	vst v4;
	v4 =	vadd.s32 $0xAAE60, v6  }
0x51: {  	[tilespmem:s21+$0x3800] =	vst v7  }
0x52: {  	[tilespmem:s21+$0x3880] =	vst v8  }
0x53: {  	[tilespmem:s21+$0x3900] =	vst v4  }
0x54: {  	v4 =	vld.idx.msk [tilespmem:v5+s2+$0x0], $0xffff;
	_ =	sdelay $0x3  }
.Ltmp1:
0x55: {  	(pc) =	sbr.rel @p2 .LBB2_5-.Ltmp1, $4  }
0x56: {  	_ = 	snop  }
0x57: {  	s18 =	sadd.s32 $0x10, s18;
	v4 =	vtrunc.f32 v4  }
0x58: {  	v5 =	vmov s18;
	v4 =	vcvt.f32.s32 v4  }
0x59: {  	s19 =	sadd.s32 $0x40, s19;
	v5 =	vshll.u32 v5, $0x4  }
0x5a: {  	v6 =	vadd.s32 v4, v3;
	s14 =	sshra.s32 s14, $0x2;
	v54 =	vand.u32 $0x7, v4  }
0x5b: {  	v5 =	vor.u32 v0, v5;
	v6 =	vshrl.u32 v6, $0x3;
	[tilespmem:s14+$0x3980] =	vst v54  }
0x5c: {  	v2 =	vadd.s32 v2, v5;
	[tilespmem:s14+$0x3700] =	vst v6;
	v55 =	vadd.s32 $0x2AB98, v6  }
0x5d: {  	v56 =	vadd.s32 $0x55730, v6;
	[tilespmem:s14+$0x3780] =	vst v55  }
0x5e: {  	v57 =	vadd.s32 $0x802C8, v6;
	[tilespmem:s14+$0x3800] =	vst v56  }
0x5f: {  	v58 =	vadd.s32 $0xAAE60, v6;
	[tilespmem:s14+$0x3880] =	vst v57  }
0x60: {  	[tilespmem:s14+$0x3900] =	vst v58  }
0x61: {  	v2 =	vld.idx.msk [tilespmem:v2+s2+$0x0], $0xffff;
	_ =	sdelay $0x4  }
0x62: {  	v2 =	vtrunc.f32 v2  }
0x63: {  	v2 =	vcvt.f32.s32 v2;
	_ =	sdelay $0x1  }
0x64: {  	s18 =	sshra.s32 s17, $0x2;
	v3 =	vadd.s32 v2, v3;
	v2 =	vand.u32 $0x7, v2  }
0x65: {  	v3 =	vshrl.u32 v3, $0x3;
	[tilespmem:s18+$0x3980] =	vst v2  }
0x66: {  	[tilespmem:s18+$0x3700] =	vst v3;
	v2 =	vadd.s32 $0x2AB98, v3  }
0x67: {  	v59 =	vadd.s32 $0x55730, v3;
	[tilespmem:s18+$0x3780] =	vst v2  }
0x68: {  	v2 =	vadd.s32 $0x802C8, v3;
	[tilespmem:s18+$0x3800] =	vst v59  }
0x69: {  	v3 =	vadd.s32 $0xAAE60, v3;
	[tilespmem:s18+$0x3880] =	vst v2  }
0x6a: {  	s19 =	simm.s32 $0x3700;
	[tilespmem:s18+$0x3900] =	vst v3  }
0x6b: {  	[tilespmem:s22], [sflag:$0x2] =	stream.indirect.gather [hbm4b:s3+s9], $0x8, s19, s9, $0xb8;
	[tilespmem:$0x5080] =	vst v63  }
0x6c: {  	_ = 	snop  }
0x6d: {  	[tilespmem:s24], [sflag:$0x2] =	stream.indirect.gather [hbm4b:s3+s9], $0x8, s23, s9, $0xb8;
	[tilespmem:$0x5080] =	vst v63  }
0x6e: {  	_ = 	snop  }
0x6f: {  	[tilespmem:s26], [sflag:$0x2] =	stream.indirect.gather [hbm4b:s3+s9], $0x8, s25, s9, $0xb8;
	[tilespmem:$0x5080] =	vst v63  }
0x70: {  	_ = 	snop  }
0x71: {  	[tilespmem:s29], [sflag:$0x2] =	stream.indirect.gather [hbm4b:s3+s9], $0x8, s28, s9, $0xb8;
	[tilespmem:$0x5080] =	vst v63  }
0x72: {  	_ = 	snop  }
0x73: {  	[tilespmem:s31], [sflag:$0x2] =	stream.indirect.gather [hbm4b:s3+s9], $0x8, s30, s9, $0xb8;
	[tilespmem:$0x5080] =	vst v63  }
0x74: {  	_ =	swait.ge [sflag:s20], $0x400  }
0x75: {  	[sflag:s20] =	ssyncset.done $0x0  }
0x76: {  	[sflag:s20] =	ssyncadd.s32 $0xFFFFFC00  }
0x77: {  	_ =	swait.ge [sflag:s20], $0x400  }
0x78: {  	[sflag:s20] =	ssyncset.done $0x0  }
0x79: {  	[sflag:s20] =	ssyncadd.s32 $0xFFFFFC00  }
0x7a: {  	_ =	swait.ge [sflag:s20], $0x400  }
0x7b: {  	[sflag:s20] =	ssyncset.done $0x0  }
0x7c: {  	[sflag:s20] =	ssyncadd.s32 $0xFFFFFC00  }
0x7d: {  	_ =	swait.ge [sflag:s20], $0x400  }
0x7e: {  	[sflag:s20] =	ssyncset.done $0x0  }
0x7f: {  	[sflag:s20] =	ssyncadd.s32 $0xFFFFFC00  }
0x80: {  	_ =	swait.ge [sflag:s20], $0x400  }
0x81: {  	[sflag:s20] =	ssyncset.done $0x0  }
0x82: {  	s17 =	simm.s32 $0x2280;
	[sflag:s20] =	ssyncadd.s32 $0xFFFFFC00  }
0x83: {  	v2 =	vld [tilespmem:s17+$0x0];
	_ =	sdelay $0x1  }
0x84: {  	s21 =	simm.s32 $0x0  }
0x85: {  	v3 =	vmov s21  }
0x86: {  	v3 =	vshll.u32 v3, $0x3  }
0x87: {  	v3 =	vor.u32 v1, v3;
	v60 =	vand.u32 $0xFFFFFFF8, v2  }
0x88: {  	v2 =	vand.u32 $0x7, v2;
	v3 =	vadd.s32 v3, v60  }
0x89: {  	v2 =	vor.u32 v2, v3;
	_ =	sdelay $0x4  }
0x8a: {  	v3 =	vld.idx.msk [tilespmem:v2+s11+$0x0], $0xffff  }
0x8b: {  	v61 =	vadd.s32 $0x400, v2;
	_ =	sdelay $0x2  }
0x8c: {  	s18 =	simm.s32 $0x4F00  }
0x8d: {  	[tilespmem:s18+$0xFFFFFF00] =	vst v3  }
0x8e: {  	v3 =	vld.idx.msk [tilespmem:v61+s11+$0x0], $0xffff  }
0x8f: {  	v62 =	vadd.s32 $0x800, v2;
	_ =	sdelay $0x3  }
0x90: {  	[tilespmem:s18+$0xFFFFFF80] =	vst v3  }
0x91: {  	v3 =	vld.idx.msk [tilespmem:v62+s11+$0x0], $0xffff  }
0x92: {  	v63 =	vadd.s32 $0xC00, v2;
	_ =	sdelay $0x3  }
0x93: {  	[tilespmem:s18+$0x0] =	vst v3  }
0x94: {  	v3 =	vld.idx.msk [tilespmem:v63+s11+$0x0], $0xffff  }
0x95: {  	v2 =	vadd.s32 $0x1000, v2;
	_ =	sdelay $0x3  }
0x96: {  	[tilespmem:s18+$0x80] =	vst v3  }
0x97: {  	s19 =	simm.s32 $0x10;
	v2 =	vld.idx.msk [tilespmem:v2+s11+$0x0], $0xffff  }
.LBB2_7:
0x98: {  	_ =	sdelay $0x3  }
0x99: {  	p2 =	sne.s32 s19, $0x70;
	s17 =	sadd.s32 $0x10, s17;
	[tilespmem:s18+$0x100] =	vst v2;
	s18 =	sadd.s32 $0x10, s18  }
0x9a: {  	s14 =	smov.u32 s19;
	s19 =	sadd.s32 $0x10, s19;
	v2 =	vld [tilespmem:s17+$0x0];
	_ =	sdelay $0x2  }
0x9b: {  	v3 =	vmov s14  }
0x9c: {  	v3 =	vshll.u32 v3, $0x3  }
0x9d: {  	v3 =	vor.u32 v1, v3;
	v4 =	vand.u32 $0xFFFFFFF8, v2  }
0x9e: {  	v2 =	vand.u32 $0x7, v2;
	v3 =	vadd.s32 v3, v4  }
0x9f: {  	v2 =	vor.u32 v2, v3;
	_ =	sdelay $0x4  }
0xa0: {  	v3 =	vld.idx.msk [tilespmem:v2+s11+$0x0], $0xffff;
	_ =	sdelay $0x1  }
0xa1: {  	v4 =	vadd.s32 $0x400, v2;
	_ =	sdelay $0x3  }
0xa2: {  	[tilespmem:s18+$0xFFFFFF00] =	vst v3  }
0xa3: {  	v3 =	vld.idx.msk [tilespmem:v4+s11+$0x0], $0xffff;
	_ =	sdelay $0x1  }
0xa4: {  	v4 =	vadd.s32 $0x800, v2;
	_ =	sdelay $0x3  }
0xa5: {  	[tilespmem:s18+$0xFFFFFF80] =	vst v3  }
0xa6: {  	v3 =	vld.idx.msk [tilespmem:v4+s11+$0x0], $0xffff;
	_ =	sdelay $0x1  }
0xa7: {  	v4 =	vadd.s32 $0xC00, v2;
	_ =	sdelay $0x3  }
0xa8: {  	[tilespmem:s18+$0x0] =	vst v3  }
0xa9: {  	v3 =	vld.idx.msk [tilespmem:v4+s11+$0x0], $0xffff;
	_ =	sdelay $0x1  }
0xaa: {  	v2 =	vadd.s32 $0x1000, v2  }
.Ltmp2:
0xab: {  	(pc) =	sbr.rel @p2 .LBB2_7-.Ltmp2, $3  }
0xac: {  	_ =	sdelay $0x1  }
0xad: {  	[tilespmem:s18+$0x80] =	vst v3  }
0xae: {  	v2 =	vld.idx.msk [tilespmem:v2+s11+$0x0], $0xffff  }
0xaf: {  	s13 =	smul.u32 $0x14000, s13  }
0xb0: {  	s14 =	sor.u32 s16, s5  }
0xb1: {  	s14 =	sor.u32 s13, s14  }
0xb2: {  	p2 =	seq.s32 s7, $0x1B;
	s14 =	sshrl.u32 s14, $0x3  }
.Ltmp3:
0xb3: {  	[tilespmem:s18+$0x100] =	vst v2;
	s14 =	sadd.s32 s4, s14;
	(pc) =	sbr.rel @p2 .LBB2_12-.Ltmp3, $4  }
0xb4: {  	[hbm4b:s14+s9] =	stream.strided.scatter [tilespmem:s0], [sflag:$0x3], $0x280, s1, s9, $0x38;
	[tilespmem:$0x5080] =	vst v63  }
0xb5: {  	_ =	swait.ge [sflag:s8], $0x280  }
0xb6: {  	[sflag:s8] =	ssyncset.done $0x0  }
0xb7: {  	[sflag:s8] =	ssyncadd.s32 $0xFFFFFD80  }
0xb8: {  	s14 =	sadd.s32 $0x2, s15  }
0xb9: {  	v2 =	vmov s12;
	s14 =	sshrl.u32 s14, $0x2  }
0xba: {  	v2 =	vshll.u32 v2, $0x4;
	s21 =	sadd.s32 $0x2, s14  }
0xbb: {  	v2 =	vor.u32 v0, v2;
	v3 =	vmov s21  }
0xbc: {  	v2 =	vadd.s32 v3, v2;
	_ =	sdelay $0x4  }
0xbd: {  	v2 =	vld.idx.msk [tilespmem:v2+s2+$0x0], $0xffff;
	_ =	sdelay $0x4  }
0xbe: {  	s15 =	sadd.s32 $0x10, s12;
	s14 =	smul.u32 $0x186A0, s14;
	v4 =	vtrunc.f32 v2  }
0xbf: {  	v5 =	vmov s15;
	v4 =	vcvt.f32.s32 v4  }
0xc0: {  	s16 =	simm.s32 $0x0;
	s12 =	simm.s32 $0x40;
	v5 =	vshll.u32 v5, $0x4;
	v2 =	vmov s14;
	s14 =	simm.s32 $0x80  }
.LBB2_10:
0xc1: {  	p2 =	sne.s32 s14, $0x1C0;
	v5 =	vor.u32 v0, v5;
	v6 =	vadd.s32 v4, v2;
	s17 =	sshra.s32 s16, $0x2;
	v4 =	vand.u32 $0x7, v4;
	s16 =	smov.u32 s12  }
0xc2: {  	s12 =	smov.u32 s14;
	v5 =	vadd.s32 v3, v5;
	v6 =	vshrl.u32 v6, $0x3;
	[tilespmem:s17+$0x2280] =	vst v4  }
0xc3: {  	[tilespmem:s17+$0x2000] =	vst v6;
	v4 =	vadd.s32 $0x2AB98, v6;
	v7 =	vadd.s32 $0x55730, v6;
	v8 =	vadd.s32 $0x802C8, v6  }
0xc4: {  	[tilespmem:s17+$0x2080] =	vst v4;
	v4 =	vadd.s32 $0xAAE60, v6  }
0xc5: {  	[tilespmem:s17+$0x2100] =	vst v7  }
0xc6: {  	[tilespmem:s17+$0x2180] =	vst v8  }
0xc7: {  	[tilespmem:s17+$0x2200] =	vst v4  }
0xc8: {  	v4 =	vld.idx.msk [tilespmem:v5+s2+$0x0], $0xffff;
	_ =	sdelay $0x3  }
.Ltmp4:
0xc9: {  	(pc) =	sbr.rel @p2 .LBB2_10-.Ltmp4, $4  }
0xca: {  	_ = 	snop  }
0xcb: {  	s15 =	sadd.s32 $0x10, s15;
	v4 =	vtrunc.f32 v4  }
0xcc: {  	v5 =	vmov s15;
	v4 =	vcvt.f32.s32 v4  }
0xcd: {  	s14 =	sadd.s32 $0x40, s14;
	v5 =	vshll.u32 v5, $0x4  }
0xce: {  	v6 =	vadd.s32 v4, v2;
	s14 =	sshra.s32 s16, $0x2;
	v58 =	vand.u32 $0x7, v4  }
0xcf: {  	v5 =	vor.u32 v0, v5;
	v6 =	vshrl.u32 v6, $0x3;
	[tilespmem:s14+$0x2280] =	vst v58  }
0xd0: {  	v3 =	vadd.s32 v3, v5;
	[tilespmem:s14+$0x2000] =	vst v6;
	v59 =	vadd.s32 $0x2AB98, v6  }
0xd1: {  	v60 =	vadd.s32 $0x55730, v6;
	[tilespmem:s14+$0x2080] =	vst v59  }
0xd2: {  	v61 =	vadd.s32 $0x802C8, v6;
	[tilespmem:s14+$0x2100] =	vst v60  }
0xd3: {  	v62 =	vadd.s32 $0xAAE60, v6;
	[tilespmem:s14+$0x2180] =	vst v61  }
0xd4: {  	[tilespmem:s14+$0x2200] =	vst v62  }
0xd5: {  	v3 =	vld.idx.msk [tilespmem:v3+s2+$0x0], $0xffff;
	_ =	sdelay $0x4  }
0xd6: {  	v3 =	vtrunc.f32 v3  }
0xd7: {  	v3 =	vcvt.f32.s32 v3;
	_ =	sdelay $0x1  }
0xd8: {  	s12 =	sshra.s32 s12, $0x2;
	v2 =	vadd.s32 v3, v2;
	v3 =	vand.u32 $0x7, v3  }
0xd9: {  	v2 =	vshrl.u32 v2, $0x3;
	[tilespmem:s12+$0x2280] =	vst v3  }
0xda: {  	[tilespmem:s12+$0x2000] =	vst v2;
	v3 =	vadd.s32 $0x2AB98, v2  }
0xdb: {  	v63 =	vadd.s32 $0x55730, v2;
	[tilespmem:s12+$0x2080] =	vst v3  }
0xdc: {  	v3 =	vadd.s32 $0x802C8, v2;
	[tilespmem:s12+$0x2100] =	vst v63  }
0xdd: {  	v2 =	vadd.s32 $0xAAE60, v2;
	[tilespmem:s12+$0x2180] =	vst v3  }
0xde: {  	s18 =	simm.s32 $0x2000;
	[tilespmem:s12+$0x2200] =	vst v2  }
0xdf: {  	[tilespmem:s11], [sflag:$0x1] =	stream.indirect.gather [hbm4b:s3+s9], $0x8, s18, s9, $0xb8;
	[tilespmem:$0x5080] =	vst v63  }
0xe0: {  	s19 =	simm.s32 $0x2080;
	s21 =	simm.s32 $0x2700  }
0xe1: {  	[tilespmem:s21], [sflag:$0x1] =	stream.indirect.gather [hbm4b:s3+s9], $0x8, s19, s9, $0xb8;
	[tilespmem:$0x5080] =	vst v63  }
0xe2: {  	s15 =	simm.s32 $0x2100;
	s16 =	simm.s32 $0x2B00  }
0xe3: {  	[tilespmem:s16], [sflag:$0x1] =	stream.indirect.gather [hbm4b:s3+s9], $0x8, s15, s9, $0xb8;
	[tilespmem:$0x5080] =	vst v63  }
0xe4: {  	s17 =	simm.s32 $0x2180;
	s18 =	simm.s32 $0x2F00  }
0xe5: {  	[tilespmem:s18], [sflag:$0x1] =	stream.indirect.gather [hbm4b:s3+s9], $0x8, s17, s9, $0xb8;
	[tilespmem:$0x5080] =	vst v63  }
0xe6: {  	s19 =	simm.s32 $0x2200;
	s21 =	simm.s32 $0x3300  }
0xe7: {  	[tilespmem:s21], [sflag:$0x1] =	stream.indirect.gather [hbm4b:s3+s9], $0x8, s19, s9, $0xb8;
	[tilespmem:$0x5080] =	vst v63  }
.LBB2_12:
0xe8: {  	_ =	swait.ge [sflag:s6], $0x400  }
0xe9: {  	[sflag:s6] =	ssyncset.done $0x0  }
0xea: {  	[sflag:s6] =	ssyncadd.s32 $0xFFFFFC00  }
0xeb: {  	_ =	swait.ge [sflag:s6], $0x400  }
0xec: {  	[sflag:s6] =	ssyncset.done $0x0  }
0xed: {  	[sflag:s6] =	ssyncadd.s32 $0xFFFFFC00  }
0xee: {  	_ =	swait.ge [sflag:s6], $0x400  }
0xef: {  	[sflag:s6] =	ssyncset.done $0x0  }
0xf0: {  	[sflag:s6] =	ssyncadd.s32 $0xFFFFFC00  }
0xf1: {  	_ =	swait.ge [sflag:s6], $0x400  }
0xf2: {  	[sflag:s6] =	ssyncset.done $0x0  }
0xf3: {  	[sflag:s6] =	ssyncadd.s32 $0xFFFFFC00  }
0xf4: {  	_ =	swait.ge [sflag:s6], $0x400  }
0xf5: {  	[sflag:s6] =	ssyncset.done $0x0  }
0xf6: {  	s12 =	simm.s32 $0x3980;
	[sflag:s6] =	ssyncadd.s32 $0xFFFFFC00  }
0xf7: {  	v2 =	vld [tilespmem:s12+$0x0];
	_ =	sdelay $0x1  }
0xf8: {  	s14 =	simm.s32 $0x0  }
0xf9: {  	v3 =	vmov s14  }
0xfa: {  	v3 =	vshll.u32 v3, $0x3  }
0xfb: {  	v3 =	vor.u32 v1, v3;
	v4 =	vand.u32 $0xFFFFFFF8, v2  }
0xfc: {  	v2 =	vand.u32 $0x7, v2;
	v3 =	vadd.s32 v3, v4  }
0xfd: {  	v2 =	vor.u32 v2, v3;
	_ =	sdelay $0x4  }
0xfe: {  	v3 =	vld.idx.msk [tilespmem:v2+s22+$0x0], $0xffff  }
0xff: {  	v61 =	vadd.s32 $0x400, v2;
	_ =	sdelay $0x2  }
0x100: {  	s15 =	simm.s32 $0x4F00  }
0x101: {  	[tilespmem:s15+$0xFFFFFF00] =	vst v3  }
0x102: {  	v3 =	vld.idx.msk [tilespmem:v61+s22+$0x0], $0xffff  }
0x103: {  	v62 =	vadd.s32 $0x800, v2;
	_ =	sdelay $0x3  }
0x104: {  	[tilespmem:s15+$0xFFFFFF80] =	vst v3  }
0x105: {  	v3 =	vld.idx.msk [tilespmem:v62+s22+$0x0], $0xffff  }
0x106: {  	v63 =	vadd.s32 $0xC00, v2;
	_ =	sdelay $0x3  }
0x107: {  	[tilespmem:s15+$0x0] =	vst v3  }
0x108: {  	v3 =	vld.idx.msk [tilespmem:v63+s22+$0x0], $0xffff  }
0x109: {  	v2 =	vadd.s32 $0x1000, v2;
	_ =	sdelay $0x3  }
0x10a: {  	[tilespmem:s15+$0x80] =	vst v3  }
0x10b: {  	s16 =	simm.s32 $0x10;
	v2 =	vld.idx.msk [tilespmem:v2+s22+$0x0], $0xffff  }
.LBB2_13:
0x10c: {  	_ =	sdelay $0x3  }
0x10d: {  	p2 =	sne.s32 s16, $0x70;
	s12 =	sadd.s32 $0x10, s12;
	[tilespmem:s15+$0x100] =	vst v2;
	s15 =	sadd.s32 $0x10, s15  }
0x10e: {  	s14 =	smov.u32 s16;
	s16 =	sadd.s32 $0x10, s16;
	v2 =	vld [tilespmem:s12+$0x0];
	_ =	sdelay $0x2  }
0x10f: {  	v3 =	vmov s14  }
0x110: {  	v3 =	vshll.u32 v3, $0x3  }
0x111: {  	v3 =	vor.u32 v1, v3;
	v4 =	vand.u32 $0xFFFFFFF8, v2  }
0x112: {  	v2 =	vand.u32 $0x7, v2;
	v3 =	vadd.s32 v3, v4  }
0x113: {  	v2 =	vor.u32 v2, v3;
	_ =	sdelay $0x4  }
0x114: {  	v3 =	vld.idx.msk [tilespmem:v2+s22+$0x0], $0xffff;
	_ =	sdelay $0x1  }
0x115: {  	v4 =	vadd.s32 $0x400, v2;
	_ =	sdelay $0x3  }
0x116: {  	[tilespmem:s15+$0xFFFFFF00] =	vst v3  }
0x117: {  	v3 =	vld.idx.msk [tilespmem:v4+s22+$0x0], $0xffff;
	_ =	sdelay $0x1  }
0x118: {  	v4 =	vadd.s32 $0x800, v2;
	_ =	sdelay $0x3  }
0x119: {  	[tilespmem:s15+$0xFFFFFF80] =	vst v3  }
0x11a: {  	v3 =	vld.idx.msk [tilespmem:v4+s22+$0x0], $0xffff;
	_ =	sdelay $0x1  }
0x11b: {  	v4 =	vadd.s32 $0xC00, v2;
	_ =	sdelay $0x3  }
0x11c: {  	[tilespmem:s15+$0x0] =	vst v3  }
0x11d: {  	v3 =	vld.idx.msk [tilespmem:v4+s22+$0x0], $0xffff;
	_ =	sdelay $0x1  }
0x11e: {  	v2 =	vadd.s32 $0x1000, v2  }
.Ltmp5:
0x11f: {  	(pc) =	sbr.rel @p2 .LBB2_13-.Ltmp5, $3  }
0x120: {  	_ =	sdelay $0x1  }
0x121: {  	[tilespmem:s15+$0x80] =	vst v3  }
0x122: {  	v2 =	vld.idx.msk [tilespmem:v2+s22+$0x0], $0xffff  }
0x123: {  	_ = 	snop  }
0x124: {  	s10 =	sor.u32 s13, s10  }
0x125: {  	s7 =	sadd.s32 $0x1, s7;
	s10 =	sor.u32 s5, s10  }
0x126: {  	p2 =	sne.s32 s7, $0x1C;
	s10 =	sshrl.u32 s10, $0x3  }
.Ltmp6:
0x127: {  	s10 =	sadd.s32 s4, s10;
	[tilespmem:s15+$0x100] =	vst v2;
	(pc) =	sbr.rel @p2 .LBB2_4-.Ltmp6, $4  }
0x128: {  	[hbm4b:s10+s9] =	stream.strided.scatter [tilespmem:s0], [sflag:$0x3], $0x280, s1, s9, $0x38;
	[tilespmem:$0x5080] =	vst v63  }
0x129: {  	_ =	swait.ge [sflag:s8], $0x280  }
0x12a: {  	[sflag:s8] =	ssyncset.done $0x0  }
0x12b: {  	p0 =	por !p0, !p0;
	p1 =	por !p1, !p1;
	[sflag:s8] =	ssyncadd.s32 $0xFFFFFD80  }
0x12c: {  	s10 =	rddreg [dreg:$0x4]  }
0x12d: {  	s7 =	rddreg [dreg:$0x3];
	s10 =	sadd.s32 $0x1, s10  }
0x12e: {  	p0 =	sne.s32 s10, s7  }
.Ltmp7:
0x12f: {  	_ = 	snop;
	(pc) =	sbr.rel @p0 .LBB2_1-.Ltmp7, $1  }
0x130: {  	_ =	sdelay $0x3  }
0x131: {  	_ =	sfence.sel $0x180000  }
0x132: {  	[bflag:$0x0] =	sbarrier.arrive $0xFFFF  }
0x133: {  	_ =	strace $0x90000047  }
0x134: {  	s0 =	stileid.u32;
	[bflag:$0x2] =	sbarrier.arrive $0xFFFF  }
0x135: {  	p0 =	sne.s32 s0, $0x0;
	s0 =	rddreg [dreg:$0x1]  }
0x136: {  	s0 =	sadd.s32 @!p0 $0x100000, s0  }
0x137: {  	[sflag:s0] =	ssyncadd.tile.s32 @!p0 $0x1;
	_ =	shalt  }
.Lfunc_end2:
_tile_overlayer_lowered:
.L_overlay_start_2:
0x138: {  	(tag) =	ssettag $0x2  }
0x139: {  	s0 =	rddreg [dreg:$0x0];
	s2 =	stileid.u32  }
0x13a: {  	s1 =	rddreg [dreg:$0x1];
	p0 =	sne.s32 s2, $0x0  }
0x13b: {  	s3 =	rddreg [dreg:$0x2];
	[bflag:$0x3] =	sbarrier.arrive $0xFFFF;
	s2 =	simm.s32 @!p0 $0x1C03  }
0x13c: {  	[timem:s3], [sflag:s2] =	dma.local @!p0 [hbm:s0], s1  }
0x13d: {  	s0 =	simm.s32 @!p0 $0x3  }
0x13e: {  	_ =	swait.ge @!p0 [sflag:s0], s1  }
0x13f: {  	s1 =	ssub.s32 @!p0 $0x0, s1;
	[sflag:s0] =	ssyncset.done @!p0 $0x0  }
0x140: {  	[sflag:s0] =	ssyncadd.s32 @!p0 s1  }
0x141: {  	[bflag:$0x3] =	sbarrier.arrive $0xFFFF  }
0x142: {  	_ =	shalt  }

</sc_bundles>
